<compile_context>
chip_gen: v7x
topology: tpu7x:2x2x1
jax: 0.10.2.dev20260603
libtpu: 0.0.44.dev20260713+nightly
codegen_flags: <defaults>
</compile_context>

<pallas_src>
import functools

import jax
import jax.numpy as jnp
from jax import lax
from jax.experimental import pallas as pl
from jax.experimental.pallas import tpu as pltpu
from jax.experimental.pallas import tpu_sc as plsc

B = 1024
L = 200
V = 100000
D = 128
LANES = 16
NC = 2
NS = 16
NW = NC * NS
ROWS_PER_W = B // NW
L_PAD = 208
N_GRP = L_PAD // LANES
D_GRP = D // LANES
GATHER_CHUNK = 104


def _pool_cos_kernel(ids_a_hbm, ids_b_hbm, table_hbm, out_hbm,
                     idx_v, rows_v, row0_v, out_v, sem):
    wid = lax.axis_index("s") * NC + lax.axis_index("c")
    base = wid * ROWS_PER_W
    lane = lax.iota(jnp.int32, LANES)

    pltpu.sync_copy(table_hbm.at[0], row0_v)

    def pool_row(ids_hbm, row):
        pltpu.sync_copy(ids_hbm.at[row], idx_v.at[pl.ds(0, L)])
        cnt = jnp.int32(0)
        for g in range(N_GRP):
            v = idx_v[pl.ds(g * LANES, LANES)]
            valid = v >= 0
            if (g + 1) * LANES > L:
                valid = valid & (lane < (L - g * LANES))
            cnt = cnt + jnp.sum(valid.astype(jnp.int32))
            idx_v[pl.ds(g * LANES, LANES)] = jnp.where(valid, v, 0)
        copies = [
            pltpu.async_copy(
                table_hbm.at[pl.ds(c * LANES, LANES)],
                rows_v.at[pl.ds(c * LANES, LANES)], sem)
            for c in range(N_GRP)
        ]
        for c in copies:
            c.wait()

        def acc_body(r, acc):
            return tuple(acc[d] + rows_v[r, pl.ds(d * LANES, LANES)]
                         for d in range(D_GRP))

        acc = lax.fori_loop(0, L_PAD, acc_body,
                            tuple(jnp.zeros((LANES,), jnp.float32)
                                  for _ in range(D_GRP)))
        n_inval = jnp.full((LANES,), L_PAD - cnt, jnp.int32).astype(jnp.float32)
        cnt_f = jnp.maximum(
            jnp.full((LANES,), cnt, jnp.int32).astype(jnp.float32), 1e-6)
        return tuple((acc[d] - n_inval * row0_v[pl.ds(d * LANES, LANES)])
                     / cnt_f for d in range(D_GRP))

    @pl.loop(0, ROWS_PER_W)
    def _row_loop(i):
        row = base + i
        ma = pool_row(ids_a_hbm, row)
        mb = pool_row(ids_b_hbm, row)
        dot = ma[0] * mb[0]
        na2 = ma[0] * ma[0]
        nb2 = mb[0] * mb[0]
        for d in range(1, D_GRP):
            dot = dot + ma[d] * mb[d]
            na2 = na2 + ma[d] * ma[d]
            nb2 = nb2 + mb[d] * mb[d]
        dot_s = jnp.full((LANES,), jnp.sum(dot))
        p = jnp.full((LANES,), jnp.sum(na2)) * jnp.full((LANES,), jnp.sum(nb2))
        p = jnp.maximum(p, 1e-16)
        ybits = jnp.full((LANES,), 0x5F3759DF, jnp.int32) - (
            plsc.bitcast(p, jnp.int32) >> 1)
        y = plsc.bitcast(ybits, jnp.float32)
        for _ in range(3):
            y = y * (1.5 - 0.5 * p * y * y)
        cos5 = dot_s * y * 5.0
        plsc.store_scatter(out_v, [jnp.full((LANES,), i, jnp.int32)], cos5,
                           mask=lane == 0)

    pltpu.sync_copy(out_v, out_hbm.at[pl.ds(base, ROWS_PER_W)])


@jax.jit
def _pool_cos(ids_a_m, ids_b_m, feat_table):
    mesh = plsc.VectorSubcoreMesh(core_axis_name="c", subcore_axis_name="s")
    fn = pl.kernel(
        _pool_cos_kernel,
        out_type=jax.ShapeDtypeStruct((B,), jnp.float32),
        mesh=mesh,
        scratch_types=[
            pltpu.VMEM((L_PAD,), jnp.int32),
            pltpu.VMEM((L_PAD, D), jnp.float32),
            pltpu.VMEM((D,), jnp.float32),
            pltpu.VMEM((ROWS_PER_W,), jnp.float32),
            pltpu.SemaphoreType.DMA,
        ],
        compiler_params=pltpu.CompilerParams(
            needs_layout_passes=False, use_tc_tiling_on_sc=False),
    )
    return fn(ids_a_m, ids_b_m, feat_table)


def kernel(ids_a, mask_a, ids_b, mask_b, pos_table, scale_table, rot_table,
           feat_table):
    del pos_table, scale_table, rot_table
    ids_a_m = jnp.where(mask_a, ids_a.astype(jnp.int32), -1)
    ids_b_m = jnp.where(mask_b, ids_b.astype(jnp.int32), -1)
    return _pool_cos(ids_a_m, ids_b_m, feat_table)

# --- scband reference (transcript-rebuilt; emitter-appended) ---
"""Pipeline reference for scband-mean-pool-model-4183298146981 (READ-ONLY COPY).

The authoritative reference and input builder live on the scoring server;
editing this copy changes nothing except your own understanding.
"""

import jax, jax.numpy as jnp
import numpy as np

B = 1024
L = 200
V = 100000
D_FEAT = 128


def setup_inputs(seed: int = 0) -> dict:
    key = jax.random.key(seed)
    k_ids_a, k_mask_a, k_ids_b, k_mask_b, k_pos, k_scale, k_rot, k_feat = jax.random.split(key, 8)
    ids_a = jax.random.randint(k_ids_a, (B, L), 0, V, dtype=jnp.int64) if jax.config.jax_enable_x64 else jax.random.randint(k_ids_a, (B, L), 0, V).astype(jnp.int32)
    ids_b = jax.random.randint(k_ids_b, (B, L), 0, V).astype(ids_a.dtype)
    mask_a = jax.random.randint(k_mask_a, (B, L), 0, 2).astype(bool)
    mask_b = jax.random.randint(k_mask_b, (B, L), 0, 2).astype(bool)
    # guarantee at least one valid token per row
    mask_a = mask_a.at[:, 0].set(True)
    mask_b = mask_b.at[:, 0].set(True)
    pos_table = jax.random.normal(k_pos, (V, 3), dtype=jnp.float32)
    scale_table = jax.random.normal(k_scale, (V, 3), dtype=jnp.float32)
    rot_table = jax.random.normal(k_rot, (V, 4), dtype=jnp.float32)
    feat_table = jax.random.normal(k_feat, (V, D_FEAT), dtype=jnp.float32) * 0.02
    return {"ids_a": ids_a, "mask_a": mask_a, "ids_b": ids_b, "mask_b": mask_b,
            "pos_table": pos_table, "scale_table": scale_table,
            "rot_table": rot_table, "feat_table": feat_table}


def _get_params(ids, pos_table, scale_table, rot_table, feat_table):
    pos = jnp.take(pos_table, ids, axis=0)
    scale = jnp.take(scale_table, ids, axis=0)
    rot = jnp.take(rot_table, ids, axis=0)
    feat = jnp.take(feat_table, ids, axis=0)
    return pos, scale, rot, feat


def _render_mean_pool(feat, mask):
    m = mask.astype(feat.dtype)[..., None]  # [B, L, 1]
    s = jnp.sum(feat * m, axis=1)           # [B, D]
    denom = jnp.clip(jnp.sum(m, axis=1), 1e-6, None)
    return s / denom


def reference(ids_a, mask_a, ids_b, mask_b, pos_table, scale_table, rot_table, feat_table):
    _, _, _, feat_a = _get_params(ids_a, pos_table, scale_table, rot_table, feat_table)
    _, _, _, feat_b = _get_params(ids_b, pos_table, scale_table, rot_table, feat_table)
    mean_a = _render_mean_pool(feat_a, mask_a)
    mean_b = _render_mean_pool(feat_b, mask_b)
    na = jnp.linalg.norm(mean_a, axis=-1)
    nb = jnp.linalg.norm(mean_b, axis=-1)
    cos = jnp.sum(mean_a * mean_b, axis=-1) / jnp.clip(na * nb, 1e-8, None)
    return cos * 5.0

if __name__ == "__main__":
    import jax
    _d = setup_inputs()
    print(jax.jit(kernel)(*tuple(_d.values())))

</pallas_src>

<mosaic_0001>
#map = affine_map<(d0, d1) -> (0, 0)>
#map1 = affine_map<(d0, d1) -> (0)>
module attributes {stable_mosaic.version = 14 : i64} {
  func.func @_pool_cos_kernel(%arg0: i32, %arg1: i32, %arg2: memref<1024x200xi32, #tpu.memory_space<hbm>>, %arg3: memref<1024x200xi32, #tpu.memory_space<hbm>>, %arg4: memref<100000x128xf32, #tpu.memory_space<hbm>>, %arg5: memref<1024xf32, #tpu.memory_space<hbm>>, %arg6: memref<208xi32, #tpu.memory_space<vmem>>, %arg7: memref<208x128xf32, #tpu.memory_space<vmem>>, %arg8: memref<128xf32, #tpu.memory_space<vmem>>, %arg9: memref<32xf32, #tpu.memory_space<vmem>>, %arg10: memref<!tpu.dma_semaphore, #tpu.memory_space<semaphore_mem>>) attributes {dimension_semantics = [#tpu.dimension_semantics<core_parallel>, #tpu.dimension_semantics<subcore_parallel>], iteration_bounds = array<i64: 2, 16>, scalar_prefetch = 0 : i64, scratch_operands = 5 : i64, tpu.core_type = #tpu.core_type<sc_vector_subcore>, window_params = [{transform_indices = #map}, {transform_indices = #map}, {transform_indices = #map}, {transform_indices = #map1}]} {
    %mul3A = arith.constant 2 : i32
    %mul3A_0 = arith.muli %arg1, %mul3A : i32
    %add3A = arith.addi %mul3A_0, %arg0 : i32
    %mul3A_1 = arith.constant 32 : i32
    %mul3A_2 = arith.muli %add3A, %mul3A_1 : i32
    %iota3A = tpu.iota {dimensions = array<i32: 0>} : vector<16xi32>
    %run_scoped3A = arith.constant 0 : i32
    "tpu.region"() ({
      %run_scoped3A_7 = tpu.sem_alloc : memref<!tpu.dma_semaphore, #tpu.memory_space<semaphore_mem>>
      %dma_start3A = arith.constant 0 : i32
      %dma_start3A_8 = tpu.memref_slice %arg4[%run_scoped3A, %dma_start3A] : memref<100000x128xf32, #tpu.memory_space<hbm>> -> memref<1x128xf32, #tpu.memory_space<hbm>>
      %dma_start3A_9 = tpu.memref_squeeze %dma_start3A_8 : memref<1x128xf32, #tpu.memory_space<hbm>> -> memref<128xf32, #tpu.memory_space<hbm>>
      %dma_start3A_10 = arith.constant 0 : i32
      %dma_start3A_11 = tpu.memref_slice %arg4[%run_scoped3A, %dma_start3A_10] : memref<100000x128xf32, #tpu.memory_space<hbm>> -> memref<1x128xf32, #tpu.memory_space<hbm>>
      %dma_start3A_12 = tpu.memref_squeeze %dma_start3A_11 : memref<1x128xf32, #tpu.memory_space<hbm>> -> memref<128xf32, #tpu.memory_space<hbm>>
      tpu.enqueue_dma source(%dma_start3A_12 : memref<128xf32, #tpu.memory_space<hbm>>) target(%arg8 : memref<128xf32, #tpu.memory_space<vmem>>) target_semaphore(%run_scoped3A_7 : memref<!tpu.dma_semaphore, #tpu.memory_space<semaphore_mem>>)
      %dma_wait3A = arith.constant 0 : i32
      %dma_wait3A_13 = tpu.memref_slice %arg4[%run_scoped3A, %dma_wait3A] : memref<100000x128xf32, #tpu.memory_space<hbm>> -> memref<1x128xf32, #tpu.memory_space<hbm>>
      %dma_wait3A_14 = tpu.memref_squeeze %dma_wait3A_13 : memref<1x128xf32, #tpu.memory_space<hbm>> -> memref<128xf32, #tpu.memory_space<hbm>>
      %dma_wait3A_15 = arith.constant 0 : i32
      %dma_wait3A_16 = tpu.memref_slice %arg4[%run_scoped3A, %dma_wait3A_15] : memref<100000x128xf32, #tpu.memory_space<hbm>> -> memref<1x128xf32, #tpu.memory_space<hbm>>
      %dma_wait3A_17 = tpu.memref_squeeze %dma_wait3A_16 : memref<1x128xf32, #tpu.memory_space<hbm>> -> memref<128xf32, #tpu.memory_space<hbm>>
      tpu.wait_dma2 semaphore(%run_scoped3A_7 : memref<!tpu.dma_semaphore, #tpu.memory_space<semaphore_mem>>) src(%dma_wait3A_17 : memref<128xf32, #tpu.memory_space<hbm>>) dst(%arg8 : memref<128xf32, #tpu.memory_space<vmem>>)
      tpu.yield
    }) : () -> ()
    %scan3A = arith.constant 0 : i32
    %scan3A_3 = arith.constant 32 : i32
    %scan3A_4 = arith.addi %scan3A, %scan3A_3 : i32
    %scan3A_5 = arith.constant 1 : i32
    scf.for %scan3A_7 = %scan3A to %scan3A_4 step %scan3A_5  : i32 {
      %mul3A_8 = arith.constant 1 : i32
      %mul3A_9 = arith.muli %scan3A_7, %mul3A_8 : i32
      %add3A_10 = arith.constant 0 : i32
      %add3A_11 = arith.addi %add3A_10, %mul3A_9 : i32
      %add3A_12 = arith.addi %mul3A_2, %add3A_11 : i32
      "tpu.region"() ({
        %run_scoped3A_1294 = tpu.sem_alloc : memref<!tpu.dma_semaphore, #tpu.memory_space<semaphore_mem>>
        %dma_start3A_1295 = arith.constant 0 : i32
        %dma_start3A_1296 = tpu.memref_slice %arg6[%dma_start3A_1295] : memref<208xi32, #tpu.memory_space<vmem>> -> memref<200xi32, #tpu.memory_space<vmem>>
        %dma_start3A_1297 = arith.constant 0 : i32
        %dma_start3A_1298 = tpu.memref_slice %arg2[%add3A_12, %dma_start3A_1297] : memref<1024x200xi32, #tpu.memory_space<hbm>> -> memref<1x200xi32, #tpu.memory_space<hbm>>
        %dma_start3A_1299 = tpu.memref_squeeze %dma_start3A_1298 : memref<1x200xi32, #tpu.memory_space<hbm>> -> memref<200xi32, #tpu.memory_space<hbm>>
        %dma_start3A_1300 = arith.constant 0 : i32
        %dma_start3A_1301 = tpu.memref_slice %arg6[%dma_start3A_1300] : memref<208xi32, #tpu.memory_space<vmem>> -> memref<200xi32, #tpu.memory_space<vmem>>
        %dma_start3A_1302 = arith.constant 0 : i32
        %dma_start3A_1303 = tpu.memref_slice %arg2[%add3A_12, %dma_start3A_1302] : memref<1024x200xi32, #tpu.memory_space<hbm>> -> memref<1x200xi32, #tpu.memory_space<hbm>>
        %dma_start3A_1304 = tpu.memref_squeeze %dma_start3A_1303 : memref<1x200xi32, #tpu.memory_space<hbm>> -> memref<200xi32, #tpu.memory_space<hbm>>
        tpu.enqueue_dma source(%dma_start3A_1304 : memref<200xi32, #tpu.memory_space<hbm>>) target(%dma_start3A_1301 : memref<200xi32, #tpu.memory_space<vmem>>) target_semaphore(%run_scoped3A_1294 : memref<!tpu.dma_semaphore, #tpu.memory_space<semaphore_mem>>)
        %dma_wait3A_1305 = arith.constant 0 : i32
        %dma_wait3A_1306 = tpu.memref_slice %arg6[%dma_wait3A_1305] : memref<208xi32, #tpu.memory_space<vmem>> -> memref<200xi32, #tpu.memory_space<vmem>>
        %dma_wait3A_1307 = arith.constant 0 : i32
        %dma_wait3A_1308 = tpu.memref_slice %arg2[%add3A_12, %dma_wait3A_1307] : memref<1024x200xi32, #tpu.memory_space<hbm>> -> memref<1x200xi32, #tpu.memory_space<hbm>>
        %dma_wait3A_1309 = tpu.memref_squeeze %dma_wait3A_1308 : memref<1x200xi32, #tpu.memory_space<hbm>> -> memref<200xi32, #tpu.memory_space<hbm>>
        %dma_wait3A_1310 = arith.constant 0 : i32
        %dma_wait3A_1311 = tpu.memref_slice %arg6[%dma_wait3A_1310] : memref<208xi32, #tpu.memory_space<vmem>> -> memref<200xi32, #tpu.memory_space<vmem>>
        %dma_wait3A_1312 = arith.constant 0 : i32
        %dma_wait3A_1313 = tpu.memref_slice %arg2[%add3A_12, %dma_wait3A_1312] : memref<1024x200xi32, #tpu.memory_space<hbm>> -> memref<1x200xi32, #tpu.memory_space<hbm>>
        %dma_wait3A_1314 = tpu.memref_squeeze %dma_wait3A_1313 : memref<1x200xi32, #tpu.memory_space<hbm>> -> memref<200xi32, #tpu.memory_space<hbm>>
        tpu.wait_dma2 semaphore(%run_scoped3A_1294 : memref<!tpu.dma_semaphore, #tpu.memory_space<semaphore_mem>>) src(%dma_wait3A_1314 : memref<200xi32, #tpu.memory_space<hbm>>) dst(%dma_wait3A_1311 : memref<200xi32, #tpu.memory_space<vmem>>)
        tpu.yield
      }) : () -> ()
      %get3A = arith.constant 0 : index
      %get3A_13 = tpu.vector_load %arg6[%get3A] {strides = array<i32>} : memref<208xi32, #tpu.memory_space<vmem>>, vector<16xi32>,
      %ge3A = arith.constant 0 : i32
      %ge3A_14 = vector.broadcast %ge3A : i32 to vector<16xi32>
      %ge3A_15 = arith.cmpi sge, %get3A_13, %ge3A_14 : vector<16xi32>
      %convert_element_type3A = arith.extui %ge3A_15 : vector<16xi1> to vector<16xi32>
      %reduce_sum3A = arith.constant true
      %reduce_sum3A_16 = vector.broadcast %reduce_sum3A : i1 to vector<16xi1>
      %reduce_sum3A_17 = tpu.scan <sum>, %convert_element_type3A masked %reduce_sum3A_16 : vector<16xi32>, vector<16xi1> -> vector<16xi32>
      %reduce_sum3A_18 = vector.extract %reduce_sum3A_17[15] : i32 from vector<16xi32>
      %add3A_19 = arith.constant 0 : i32
      %add3A_20 = arith.addi %add3A_19, %reduce_sum3A_18 : i32
      %jit3A = arith.constant 0 : i32
      %broadcast_in_dim3A = vector.broadcast %jit3A : i32 to vector<16xi32>
      %select_n3A = arith.select %ge3A_15, %get3A_13, %broadcast_in_dim3A : vector<16xi1>, vector<16xi32>
      %swap3A = arith.constant 0 : index
      %swap3A_21 = tpu.vector_load %arg6[%swap3A] {strides = array<i32>} : memref<208xi32, #tpu.memory_space<vmem>>, vector<16xi32>,
      tpu.vector_store %arg6[%swap3A], %select_n3A {strides = array<i32>} : memref<208xi32, #tpu.memory_space<vmem>>, vector<16xi32>,
      %get3A_22 = arith.constant 16 : index
      %get3A_23 = tpu.vector_load %arg6[%get3A_22] {strides = array<i32>} : memref<208xi32, #tpu.memory_space<vmem>>, vector<16xi32>,
      %ge3A_24 = arith.constant 0 : i32
      %ge3A_25 = vector.broadcast %ge3A_24 : i32 to vector<16xi32>
      %ge3A_26 = arith.cmpi sge, %get3A_23, %ge3A_25 : vector<16xi32>
      %convert_element_type3A_27 = arith.extui %ge3A_26 : vector<16xi1> to vector<16xi32>
      %reduce_sum3A_28 = arith.constant true
      %reduce_sum3A_29 = vector.broadcast %reduce_sum3A_28 : i1 to vector<16xi1>
      %reduce_sum3A_30 = tpu.scan <sum>, %convert_element_type3A_27 masked %reduce_sum3A_29 : vector<16xi32>, vector<16xi1> -> vector<16xi32>
      %reduce_sum3A_31 = vector.extract %reduce_sum3A_30[15] : i32 from vector<16xi32>
      %add3A_32 = arith.addi %add3A_20, %reduce_sum3A_31 : i32
      %jit3A_33 = arith.constant 0 : i32
      %broadcast_in_dim3A_34 = vector.broadcast %jit3A_33 : i32 to vector<16xi32>
      %select_n3A_35 = arith.select %ge3A_26, %get3A_23, %broadcast_in_dim3A_34 : vector<16xi1>, vector<16xi32>
      %swap3A_36 = arith.constant 16 : index
      %swap3A_37 = tpu.vector_load %arg6[%swap3A_36] {strides = array<i32>} : memref<208xi32, #tpu.memory_space<vmem>>, vector<16xi32>,
      tpu.vector_store %arg6[%swap3A_36], %select_n3A_35 {strides = array<i32>} : memref<208xi32, #tpu.memory_space<vmem>>, vector<16xi32>,
      %get3A_38 = arith.constant 32 : index
      %get3A_39 = tpu.vector_load %arg6[%get3A_38] {strides = array<i32>} : memref<208xi32, #tpu.memory_space<vmem>>, vector<16xi32>,
      %ge3A_40 = arith.constant 0 : i32
      %ge3A_41 = vector.broadcast %ge3A_40 : i32 to vector<16xi32>
      %ge3A_42 = arith.cmpi sge, %get3A_39, %ge3A_41 : vector<16xi32>
      %convert_element_type3A_43 = arith.extui %ge3A_42 : vector<16xi1> to vector<16xi32>
      %reduce_sum3A_44 = arith.constant true
      %reduce_sum3A_45 = vector.broadcast %reduce_sum3A_44 : i1 to vector<16xi1>
      %reduce_sum3A_46 = tpu.scan <sum>, %convert_element_type3A_43 masked %reduce_sum3A_45 : vector<16xi32>, vector<16xi1> -> vector<16xi32>
      %reduce_sum3A_47 = vector.extract %reduce_sum3A_46[15] : i32 from vector<16xi32>
      %add3A_48 = arith.addi %add3A_32, %reduce_sum3A_47 : i32
      %jit3A_49 = arith.constant 0 : i32
      %broadcast_in_dim3A_50 = vector.broadcast %jit3A_49 : i32 to vector<16xi32>
      %select_n3A_51 = arith.select %ge3A_42, %get3A_39, %broadcast_in_dim3A_50 : vector<16xi1>, vector<16xi32>
      %swap3A_52 = arith.constant 32 : index
      %swap3A_53 = tpu.vector_load %arg6[%swap3A_52] {strides = array<i32>} : memref<208xi32, #tpu.memory_space<vmem>>, vector<16xi32>,
      tpu.vector_store %arg6[%swap3A_52], %select_n3A_51 {strides = array<i32>} : memref<208xi32, #tpu.memory_space<vmem>>, vector<16xi32>,
      %get3A_54 = arith.constant 48 : index
      %get3A_55 = tpu.vector_load %arg6[%get3A_54] {strides = array<i32>} : memref<208xi32, #tpu.memory_space<vmem>>, vector<16xi32>,
      %ge3A_56 = arith.constant 0 : i32
      %ge3A_57 = vector.broadcast %ge3A_56 : i32 to vector<16xi32>
      %ge3A_58 = arith.cmpi sge, %get3A_55, %ge3A_57 : vector<16xi32>
      %convert_element_type3A_59 = arith.extui %ge3A_58 : vector<16xi1> to vector<16xi32>
      %reduce_sum3A_60 = arith.constant true
      %reduce_sum3A_61 = vector.broadcast %reduce_sum3A_60 : i1 to vector<16xi1>
      %reduce_sum3A_62 = tpu.scan <sum>, %convert_element_type3A_59 masked %reduce_sum3A_61 : vector<16xi32>, vector<16xi1> -> vector<16xi32>
      %reduce_sum3A_63 = vector.extract %reduce_sum3A_62[15] : i32 from vector<16xi32>
      %add3A_64 = arith.addi %add3A_48, %reduce_sum3A_63 : i32
      %jit3A_65 = arith.constant 0 : i32
      %broadcast_in_dim3A_66 = vector.broadcast %jit3A_65 : i32 to vector<16xi32>
      %select_n3A_67 = arith.select %ge3A_58, %get3A_55, %broadcast_in_dim3A_66 : vector<16xi1>, vector<16xi32>
      %swap3A_68 = arith.constant 48 : index
      %swap3A_69 = tpu.vector_load %arg6[%swap3A_68] {strides = array<i32>} : memref<208xi32, #tpu.memory_space<vmem>>, vector<16xi32>,
      tpu.vector_store %arg6[%swap3A_68], %select_n3A_67 {strides = array<i32>} : memref<208xi32, #tpu.memory_space<vmem>>, vector<16xi32>,
      %get3A_70 = arith.constant 64 : index
      %get3A_71 = tpu.vector_load %arg6[%get3A_70] {strides = array<i32>} : memref<208xi32, #tpu.memory_space<vmem>>, vector<16xi32>,
      %ge3A_72 = arith.constant 0 : i32
      %ge3A_73 = vector.broadcast %ge3A_72 : i32 to vector<16xi32>
      %ge3A_74 = arith.cmpi sge, %get3A_71, %ge3A_73 : vector<16xi32>
      %convert_element_type3A_75 = arith.extui %ge3A_74 : vector<16xi1> to vector<16xi32>
      %reduce_sum3A_76 = arith.constant true
      %reduce_sum3A_77 = vector.broadcast %reduce_sum3A_76 : i1 to vector<16xi1>
      %reduce_sum3A_78 = tpu.scan <sum>, %convert_element_type3A_75 masked %reduce_sum3A_77 : vector<16xi32>, vector<16xi1> -> vector<16xi32>
      %reduce_sum3A_79 = vector.extract %reduce_sum3A_78[15] : i32 from vector<16xi32>
      %add3A_80 = arith.addi %add3A_64, %reduce_sum3A_79 : i32
      %jit3A_81 = arith.constant 0 : i32
      %broadcast_in_dim3A_82 = vector.broadcast %jit3A_81 : i32 to vector<16xi32>
      %select_n3A_83 = arith.select %ge3A_74, %get3A_71, %broadcast_in_dim3A_82 : vector<16xi1>, vector<16xi32>
      %swap3A_84 = arith.constant 64 : index
      %swap3A_85 = tpu.vector_load %arg6[%swap3A_84] {strides = array<i32>} : memref<208xi32, #tpu.memory_space<vmem>>, vector<16xi32>,
      tpu.vector_store %arg6[%swap3A_84], %select_n3A_83 {strides = array<i32>} : memref<208xi32, #tpu.memory_space<vmem>>, vector<16xi32>,
      %get3A_86 = arith.constant 80 : index
      %get3A_87 = tpu.vector_load %arg6[%get3A_86] {strides = array<i32>} : memref<208xi32, #tpu.memory_space<vmem>>, vector<16xi32>,
      %ge3A_88 = arith.constant 0 : i32
      %ge3A_89 = vector.broadcast %ge3A_88 : i32 to vector<16xi32>
      %ge3A_90 = arith.cmpi sge, %get3A_87, %ge3A_89 : vector<16xi32>
      %convert_element_type3A_91 = arith.extui %ge3A_90 : vector<16xi1> to vector<16xi32>
      %reduce_sum3A_92 = arith.constant true
      %reduce_sum3A_93 = vector.broadcast %reduce_sum3A_92 : i1 to vector<16xi1>
      %reduce_sum3A_94 = tpu.scan <sum>, %convert_element_type3A_91 masked %reduce_sum3A_93 : vector<16xi32>, vector<16xi1> -> vector<16xi32>
      %reduce_sum3A_95 = vector.extract %reduce_sum3A_94[15] : i32 from vector<16xi32>
      %add3A_96 = arith.addi %add3A_80, %reduce_sum3A_95 : i32
      %jit3A_97 = arith.constant 0 : i32
      %broadcast_in_dim3A_98 = vector.broadcast %jit3A_97 : i32 to vector<16xi32>
      %select_n3A_99 = arith.select %ge3A_90, %get3A_87, %broadcast_in_dim3A_98 : vector<16xi1>, vector<16xi32>
      %swap3A_100 = arith.constant 80 : index
      %swap3A_101 = tpu.vector_load %arg6[%swap3A_100] {strides = array<i32>} : memref<208xi32, #tpu.memory_space<vmem>>, vector<16xi32>,
      tpu.vector_store %arg6[%swap3A_100], %select_n3A_99 {strides = array<i32>} : memref<208xi32, #tpu.memory_space<vmem>>, vector<16xi32>,
      %get3A_102 = arith.constant 96 : index
      %get3A_103 = tpu.vector_load %arg6[%get3A_102] {strides = array<i32>} : memref<208xi32, #tpu.memory_space<vmem>>, vector<16xi32>,
      %ge3A_104 = arith.constant 0 : i32
      %ge3A_105 = vector.broadcast %ge3A_104 : i32 to vector<16xi32>
      %ge3A_106 = arith.cmpi sge, %get3A_103, %ge3A_105 : vector<16xi32>
      %convert_element_type3A_107 = arith.extui %ge3A_106 : vector<16xi1> to vector<16xi32>
      %reduce_sum3A_108 = arith.constant true
      %reduce_sum3A_109 = vector.broadcast %reduce_sum3A_108 : i1 to vector<16xi1>
      %reduce_sum3A_110 = tpu.scan <sum>, %convert_element_type3A_107 masked %reduce_sum3A_109 : vector<16xi32>, vector<16xi1> -> vector<16xi32>
      %reduce_sum3A_111 = vector.extract %reduce_sum3A_110[15] : i32 from vector<16xi32>
      %add3A_112 = arith.addi %add3A_96, %reduce_sum3A_111 : i32
      %jit3A_113 = arith.constant 0 : i32
      %broadcast_in_dim3A_114 = vector.broadcast %jit3A_113 : i32 to vector<16xi32>
      %select_n3A_115 = arith.select %ge3A_106, %get3A_103, %broadcast_in_dim3A_114 : vector<16xi1>, vector<16xi32>
      %swap3A_116 = arith.constant 96 : index
      %swap3A_117 = tpu.vector_load %arg6[%swap3A_116] {strides = array<i32>} : memref<208xi32, #tpu.memory_space<vmem>>, vector<16xi32>,
      tpu.vector_store %arg6[%swap3A_116], %select_n3A_115 {strides = array<i32>} : memref<208xi32, #tpu.memory_space<vmem>>, vector<16xi32>,
      %get3A_118 = arith.constant 112 : index
      %get3A_119 = tpu.vector_load %arg6[%get3A_118] {strides = array<i32>} : memref<208xi32, #tpu.memory_space<vmem>>, vector<16xi32>,
      %ge3A_120 = arith.constant 0 : i32
      %ge3A_121 = vector.broadcast %ge3A_120 : i32 to vector<16xi32>
      %ge3A_122 = arith.cmpi sge, %get3A_119, %ge3A_121 : vector<16xi32>
      %convert_element_type3A_123 = arith.extui %ge3A_122 : vector<16xi1> to vector<16xi32>
      %reduce_sum3A_124 = arith.constant true
      %reduce_sum3A_125 = vector.broadcast %reduce_sum3A_124 : i1 to vector<16xi1>
      %reduce_sum3A_126 = tpu.scan <sum>, %convert_element_type3A_123 masked %reduce_sum3A_125 : vector<16xi32>, vector<16xi1> -> vector<16xi32>
      %reduce_sum3A_127 = vector.extract %reduce_sum3A_126[15] : i32 from vector<16xi32>
      %add3A_128 = arith.addi %add3A_112, %reduce_sum3A_127 : i32
      %jit3A_129 = arith.constant 0 : i32
      %broadcast_in_dim3A_130 = vector.broadcast %jit3A_129 : i32 to vector<16xi32>
      %select_n3A_131 = arith.select %ge3A_122, %get3A_119, %broadcast_in_dim3A_130 : vector<16xi1>, vector<16xi32>
      %swap3A_132 = arith.constant 112 : index
      %swap3A_133 = tpu.vector_load %arg6[%swap3A_132] {strides = array<i32>} : memref<208xi32, #tpu.memory_space<vmem>>, vector<16xi32>,
      tpu.vector_store %arg6[%swap3A_132], %select_n3A_131 {strides = array<i32>} : memref<208xi32, #tpu.memory_space<vmem>>, vector<16xi32>,
      %get3A_134 = arith.constant 128 : index
      %get3A_135 = tpu.vector_load %arg6[%get3A_134] {strides = array<i32>} : memref<208xi32, #tpu.memory_space<vmem>>, vector<16xi32>,
      %ge3A_136 = arith.constant 0 : i32
      %ge3A_137 = vector.broadcast %ge3A_136 : i32 to vector<16xi32>
      %ge3A_138 = arith.cmpi sge, %get3A_135, %ge3A_137 : vector<16xi32>
      %convert_element_type3A_139 = arith.extui %ge3A_138 : vector<16xi1> to vector<16xi32>
      %reduce_sum3A_140 = arith.constant true
      %reduce_sum3A_141 = vector.broadcast %reduce_sum3A_140 : i1 to vector<16xi1>
      %reduce_sum3A_142 = tpu.scan <sum>, %convert_element_type3A_139 masked %reduce_sum3A_141 : vector<16xi32>, vector<16xi1> -> vector<16xi32>
      %reduce_sum3A_143 = vector.extract %reduce_sum3A_142[15] : i32 from vector<16xi32>
      %add3A_144 = arith.addi %add3A_128, %reduce_sum3A_143 : i32
      %jit3A_145 = arith.constant 0 : i32
      %broadcast_in_dim3A_146 = vector.broadcast %jit3A_145 : i32 to vector<16xi32>
      %select_n3A_147 = arith.select %ge3A_138, %get3A_135, %broadcast_in_dim3A_146 : vector<16xi1>, vector<16xi32>
      %swap3A_148 = arith.constant 128 : index
      %swap3A_149 = tpu.vector_load %arg6[%swap3A_148] {strides = array<i32>} : memref<208xi32, #tpu.memory_space<vmem>>, vector<16xi32>,
      tpu.vector_store %arg6[%swap3A_148], %select_n3A_147 {strides = array<i32>} : memref<208xi32, #tpu.memory_space<vmem>>, vector<16xi32>,
      %get3A_150 = arith.constant 144 : index
      %get3A_151 = tpu.vector_load %arg6[%get3A_150] {strides = array<i32>} : memref<208xi32, #tpu.memory_space<vmem>>, vector<16xi32>,
      %ge3A_152 = arith.constant 0 : i32
      %ge3A_153 = vector.broadcast %ge3A_152 : i32 to vector<16xi32>
      %ge3A_154 = arith.cmpi sge, %get3A_151, %ge3A_153 : vector<16xi32>
      %convert_element_type3A_155 = arith.extui %ge3A_154 : vector<16xi1> to vector<16xi32>
      %reduce_sum3A_156 = arith.constant true
      %reduce_sum3A_157 = vector.broadcast %reduce_sum3A_156 : i1 to vector<16xi1>
      %reduce_sum3A_158 = tpu.scan <sum>, %convert_element_type3A_155 masked %reduce_sum3A_157 : vector<16xi32>, vector<16xi1> -> vector<16xi32>
      %reduce_sum3A_159 = vector.extract %reduce_sum3A_158[15] : i32 from vector<16xi32>
      %add3A_160 = arith.addi %add3A_144, %reduce_sum3A_159 : i32
      %jit3A_161 = arith.constant 0 : i32
      %broadcast_in_dim3A_162 = vector.broadcast %jit3A_161 : i32 to vector<16xi32>
      %select_n3A_163 = arith.select %ge3A_154, %get3A_151, %broadcast_in_dim3A_162 : vector<16xi1>, vector<16xi32>
      %swap3A_164 = arith.constant 144 : index
      %swap3A_165 = tpu.vector_load %arg6[%swap3A_164] {strides = array<i32>} : memref<208xi32, #tpu.memory_space<vmem>>, vector<16xi32>,
      tpu.vector_store %arg6[%swap3A_164], %select_n3A_163 {strides = array<i32>} : memref<208xi32, #tpu.memory_space<vmem>>, vector<16xi32>,
      %get3A_166 = arith.constant 160 : index
      %get3A_167 = tpu.vector_load %arg6[%get3A_166] {strides = array<i32>} : memref<208xi32, #tpu.memory_space<vmem>>, vector<16xi32>,
      %ge3A_168 = arith.constant 0 : i32
      %ge3A_169 = vector.broadcast %ge3A_168 : i32 to vector<16xi32>
      %ge3A_170 = arith.cmpi sge, %get3A_167, %ge3A_169 : vector<16xi32>
      %convert_element_type3A_171 = arith.extui %ge3A_170 : vector<16xi1> to vector<16xi32>
      %reduce_sum3A_172 = arith.constant true
      %reduce_sum3A_173 = vector.broadcast %reduce_sum3A_172 : i1 to vector<16xi1>
      %reduce_sum3A_174 = tpu.scan <sum>, %convert_element_type3A_171 masked %reduce_sum3A_173 : vector<16xi32>, vector<16xi1> -> vector<16xi32>
      %reduce_sum3A_175 = vector.extract %reduce_sum3A_174[15] : i32 from vector<16xi32>
      %add3A_176 = arith.addi %add3A_160, %reduce_sum3A_175 : i32
      %jit3A_177 = arith.constant 0 : i32
      %broadcast_in_dim3A_178 = vector.broadcast %jit3A_177 : i32 to vector<16xi32>
      %select_n3A_179 = arith.select %ge3A_170, %get3A_167, %broadcast_in_dim3A_178 : vector<16xi1>, vector<16xi32>
      %swap3A_180 = arith.constant 160 : index
      %swap3A_181 = tpu.vector_load %arg6[%swap3A_180] {strides = array<i32>} : memref<208xi32, #tpu.memory_space<vmem>>, vector<16xi32>,
      tpu.vector_store %arg6[%swap3A_180], %select_n3A_179 {strides = array<i32>} : memref<208xi32, #tpu.memory_space<vmem>>, vector<16xi32>,
      %get3A_182 = arith.constant 176 : index
      %get3A_183 = tpu.vector_load %arg6[%get3A_182] {strides = array<i32>} : memref<208xi32, #tpu.memory_space<vmem>>, vector<16xi32>,
      %ge3A_184 = arith.constant 0 : i32
      %ge3A_185 = vector.broadcast %ge3A_184 : i32 to vector<16xi32>
      %ge3A_186 = arith.cmpi sge, %get3A_183, %ge3A_185 : vector<16xi32>
      %convert_element_type3A_187 = arith.extui %ge3A_186 : vector<16xi1> to vector<16xi32>
      %reduce_sum3A_188 = arith.constant true
      %reduce_sum3A_189 = vector.broadcast %reduce_sum3A_188 : i1 to vector<16xi1>
      %reduce_sum3A_190 = tpu.scan <sum>, %convert_element_type3A_187 masked %reduce_sum3A_189 : vector<16xi32>, vector<16xi1> -> vector<16xi32>
      %reduce_sum3A_191 = vector.extract %reduce_sum3A_190[15] : i32 from vector<16xi32>
      %add3A_192 = arith.addi %add3A_176, %reduce_sum3A_191 : i32
      %jit3A_193 = arith.constant 0 : i32
      %broadcast_in_dim3A_194 = vector.broadcast %jit3A_193 : i32 to vector<16xi32>
      %select_n3A_195 = arith.select %ge3A_186, %get3A_183, %broadcast_in_dim3A_194 : vector<16xi1>, vector<16xi32>
      %swap3A_196 = arith.constant 176 : index
      %swap3A_197 = tpu.vector_load %arg6[%swap3A_196] {strides = array<i32>} : memref<208xi32, #tpu.memory_space<vmem>>, vector<16xi32>,
      tpu.vector_store %arg6[%swap3A_196], %select_n3A_195 {strides = array<i32>} : memref<208xi32, #tpu.memory_space<vmem>>, vector<16xi32>,
      %get3A_198 = arith.constant 192 : index
      %get3A_199 = tpu.vector_load %arg6[%get3A_198] {strides = array<i32>} : memref<208xi32, #tpu.memory_space<vmem>>, vector<16xi32>,
      %ge3A_200 = arith.constant 0 : i32
      %ge3A_201 = vector.broadcast %ge3A_200 : i32 to vector<16xi32>
      %ge3A_202 = arith.cmpi sge, %get3A_199, %ge3A_201 : vector<16xi32>
      %lt3A = arith.constant 8 : i32
      %lt3A_203 = vector.broadcast %lt3A : i32 to vector<16xi32>
      %lt3A_204 = arith.cmpi slt, %iota3A, %lt3A_203 : vector<16xi32>
      %and3A = arith.andi %ge3A_202, %lt3A_204 : vector<16xi1>
      %convert_element_type3A_205 = arith.extui %and3A : vector<16xi1> to vector<16xi32>
      %reduce_sum3A_206 = arith.constant true
      %reduce_sum3A_207 = vector.broadcast %reduce_sum3A_206 : i1 to vector<16xi1>
      %reduce_sum3A_208 = tpu.scan <sum>, %convert_element_type3A_205 masked %reduce_sum3A_207 : vector<16xi32>, vector<16xi1> -> vector<16xi32>
      %reduce_sum3A_209 = vector.extract %reduce_sum3A_208[15] : i32 from vector<16xi32>
      %add3A_210 = arith.addi %add3A_192, %reduce_sum3A_209 : i32
      %jit3A_211 = arith.constant 0 : i32
      %broadcast_in_dim3A_212 = vector.broadcast %jit3A_211 : i32 to vector<16xi32>
      %select_n3A_213 = arith.select %and3A, %get3A_199, %broadcast_in_dim3A_212 : vector<16xi1>, vector<16xi32>
      %swap3A_214 = arith.constant 192 : index
      %swap3A_215 = tpu.vector_load %arg6[%swap3A_214] {strides = array<i32>} : memref<208xi32, #tpu.memory_space<vmem>>, vector<16xi32>,
      tpu.vector_store %arg6[%swap3A_214], %select_n3A_213 {strides = array<i32>} : memref<208xi32, #tpu.memory_space<vmem>>, vector<16xi32>,
      %dma_start3A = arith.constant 0 : i32
      %dma_start3A_216 = arith.constant 0 : i32
      %dma_start3A_217 = tpu.memref_slice %arg7[%dma_start3A, %dma_start3A_216] : memref<208x128xf32, #tpu.memory_space<vmem>> -> memref<16x128xf32, #tpu.memory_space<vmem>>
      %dma_start3A_218 = arith.constant 0 : i32
      %dma_start3A_219 = arith.constant 0 : i32
      %dma_start3A_220 = tpu.memref_slice %arg4[%dma_start3A_218, %dma_start3A_219] : memref<100000x128xf32, #tpu.memory_space<hbm>> -> memref<16x128xf32, #tpu.memory_space<hbm>>
      %dma_start3A_221 = arith.constant 0 : i32
      %dma_start3A_222 = arith.constant 0 : i32
      %dma_start3A_223 = tpu.memref_slice %arg7[%dma_start3A_221, %dma_start3A_222] : memref<208x128xf32, #tpu.memory_space<vmem>> -> memref<16x128xf32, #tpu.memory_space<vmem>>
      %dma_start3A_224 = arith.constant 0 : i32
      %dma_start3A_225 = arith.constant 0 : i32
      %dma_start3A_226 = tpu.memref_slice %arg4[%dma_start3A_224, %dma_start3A_225] : memref<100000x128xf32, #tpu.memory_space<hbm>> -> memref<16x128xf32, #tpu.memory_space<hbm>>
      tpu.enqueue_dma source(%dma_start3A_226 : memref<16x128xf32, #tpu.memory_space<hbm>>) target(%dma_start3A_223 : memref<16x128xf32, #tpu.memory_space<vmem>>) target_semaphore(%arg10 : memref<!tpu.dma_semaphore, #tpu.memory_space<semaphore_mem>>)
      %dma_start3A_227 = arith.constant 16 : i32
      %dma_start3A_228 = arith.constant 0 : i32
      %dma_start3A_229 = tpu.memref_slice %arg7[%dma_start3A_227, %dma_start3A_228] : memref<208x128xf32, #tpu.memory_space<vmem>> -> memref<16x128xf32, #tpu.memory_space<vmem>>
      %dma_start3A_230 = arith.constant 16 : i32
      %dma_start3A_231 = arith.constant 0 : i32
      %dma_start3A_232 = tpu.memref_slice %arg4[%dma_start3A_230, %dma_start3A_231] : memref<100000x128xf32, #tpu.memory_space<hbm>> -> memref<16x128xf32, #tpu.memory_space<hbm>>
      %dma_start3A_233 = arith.constant 16 : i32
      %dma_start3A_234 = arith.constant 0 : i32
      %dma_start3A_235 = tpu.memref_slice %arg7[%dma_start3A_233, %dma_start3A_234] : memref<208x128xf32, #tpu.memory_space<vmem>> -> memref<16x128xf32, #tpu.memory_space<vmem>>
      %dma_start3A_236 = arith.constant 16 : i32
      %dma_start3A_237 = arith.constant 0 : i32
      %dma_start3A_238 = tpu.memref_slice %arg4[%dma_start3A_236, %dma_start3A_237] : memref<100000x128xf32, #tpu.memory_space<hbm>> -> memref<16x128xf32, #tpu.memory_space<hbm>>
      tpu.enqueue_dma source(%dma_start3A_238 : memref<16x128xf32, #tpu.memory_space<hbm>>) target(%dma_start3A_235 : memref<16x128xf32, #tpu.memory_space<vmem>>) target_semaphore(%arg10 : memref<!tpu.dma_semaphore, #tpu.memory_space<semaphore_mem>>)
      %dma_start3A_239 = arith.constant 32 : i32
      %dma_start3A_240 = arith.constant 0 : i32
      %dma_start3A_241 = tpu.memref_slice %arg7[%dma_start3A_239, %dma_start3A_240] : memref<208x128xf32, #tpu.memory_space<vmem>> -> memref<16x128xf32, #tpu.memory_space<vmem>>
      %dma_start3A_242 = arith.constant 32 : i32
      %dma_start3A_243 = arith.constant 0 : i32
      %dma_start3A_244 = tpu.memref_slice %arg4[%dma_start3A_242, %dma_start3A_243] : memref<100000x128xf32, #tpu.memory_space<hbm>> -> memref<16x128xf32, #tpu.memory_space<hbm>>
      %dma_start3A_245 = arith.constant 32 : i32
      %dma_start3A_246 = arith.constant 0 : i32
      %dma_start3A_247 = tpu.memref_slice %arg7[%dma_start3A_245, %dma_start3A_246] : memref<208x128xf32, #tpu.memory_space<vmem>> -> memref<16x128xf32, #tpu.memory_space<vmem>>
      %dma_start3A_248 = arith.constant 32 : i32
      %dma_start3A_249 = arith.constant 0 : i32
      %dma_start3A_250 = tpu.memref_slice %arg4[%dma_start3A_248, %dma_start3A_249] : memref<100000x128xf32, #tpu.memory_space<hbm>> -> memref<16x128xf32, #tpu.memory_space<hbm>>
      tpu.enqueue_dma source(%dma_start3A_250 : memref<16x128xf32, #tpu.memory_space<hbm>>) target(%dma_start3A_247 : memref<16x128xf32, #tpu.memory_space<vmem>>) target_semaphore(%arg10 : memref<!tpu.dma_semaphore, #tpu.memory_space<semaphore_mem>>)
      %dma_start3A_251 = arith.constant 48 : i32
      %dma_start3A_252 = arith.constant 0 : i32
      %dma_start3A_253 = tpu.memref_slice %arg7[%dma_start3A_251, %dma_start3A_252] : memref<208x128xf32, #tpu.memory_space<vmem>> -> memref<16x128xf32, #tpu.memory_space<vmem>>
      %dma_start3A_254 = arith.constant 48 : i32
      %dma_start3A_255 = arith.constant 0 : i32
      %dma_start3A_256 = tpu.memref_slice %arg4[%dma_start3A_254, %dma_start3A_255] : memref<100000x128xf32, #tpu.memory_space<hbm>> -> memref<16x128xf32, #tpu.memory_space<hbm>>
      %dma_start3A_257 = arith.constant 48 : i32
      %dma_start3A_258 = arith.constant 0 : i32
      %dma_start3A_259 = tpu.memref_slice %arg7[%dma_start3A_257, %dma_start3A_258] : memref<208x128xf32, #tpu.memory_space<vmem>> -> memref<16x128xf32, #tpu.memory_space<vmem>>
      %dma_start3A_260 = arith.constant 48 : i32
      %dma_start3A_261 = arith.constant 0 : i32
      %dma_start3A_262 = tpu.memref_slice %arg4[%dma_start3A_260, %dma_start3A_261] : memref<100000x128xf32, #tpu.memory_space<hbm>> -> memref<16x128xf32, #tpu.memory_space<hbm>>
      tpu.enqueue_dma source(%dma_start3A_262 : memref<16x128xf32, #tpu.memory_space<hbm>>) target(%dma_start3A_259 : memref<16x128xf32, #tpu.memory_space<vmem>>) target_semaphore(%arg10 : memref<!tpu.dma_semaphore, #tpu.memory_space<semaphore_mem>>)
      %dma_start3A_263 = arith.constant 64 : i32
      %dma_start3A_264 = arith.constant 0 : i32
      %dma_start3A_265 = tpu.memref_slice %arg7[%dma_start3A_263, %dma_start3A_264] : memref<208x128xf32, #tpu.memory_space<vmem>> -> memref<16x128xf32, #tpu.memory_space<vmem>>
      %dma_start3A_266 = arith.constant 64 : i32
      %dma_start3A_267 = arith.constant 0 : i32
      %dma_start3A_268 = tpu.memref_slice %arg4[%dma_start3A_266, %dma_start3A_267] : memref<100000x128xf32, #tpu.memory_space<hbm>> -> memref<16x128xf32, #tpu.memory_space<hbm>>
      %dma_start3A_269 = arith.constant 64 : i32
      %dma_start3A_270 = arith.constant 0 : i32
      %dma_start3A_271 = tpu.memref_slice %arg7[%dma_start3A_269, %dma_start3A_270] : memref<208x128xf32, #tpu.memory_space<vmem>> -> memref<16x128xf32, #tpu.memory_space<vmem>>
      %dma_start3A_272 = arith.constant 64 : i32
      %dma_start3A_273 = arith.constant 0 : i32
      %dma_start3A_274 = tpu.memref_slice %arg4[%dma_start3A_272, %dma_start3A_273] : memref<100000x128xf32, #tpu.memory_space<hbm>> -> memref<16x128xf32, #tpu.memory_space<hbm>>
      tpu.enqueue_dma source(%dma_start3A_274 : memref<16x128xf32, #tpu.memory_space<hbm>>) target(%dma_start3A_271 : memref<16x128xf32, #tpu.memory_space<vmem>>) target_semaphore(%arg10 : memref<!tpu.dma_semaphore, #tpu.memory_space<semaphore_mem>>)
      %dma_start3A_275 = arith.constant 80 : i32
      %dma_start3A_276 = arith.constant 0 : i32
      %dma_start3A_277 = tpu.memref_slice %arg7[%dma_start3A_275, %dma_start3A_276] : memref<208x128xf32, #tpu.memory_space<vmem>> -> memref<16x128xf32, #tpu.memory_space<vmem>>
      %dma_start3A_278 = arith.constant 80 : i32
      %dma_start3A_279 = arith.constant 0 : i32
      %dma_start3A_280 = tpu.memref_slice %arg4[%dma_start3A_278, %dma_start3A_279] : memref<100000x128xf32, #tpu.memory_space<hbm>> -> memref<16x128xf32, #tpu.memory_space<hbm>>
      %dma_start3A_281 = arith.constant 80 : i32
      %dma_start3A_282 = arith.constant 0 : i32
      %dma_start3A_283 = tpu.memref_slice %arg7[%dma_start3A_281, %dma_start3A_282] : memref<208x128xf32, #tpu.memory_space<vmem>> -> memref<16x128xf32, #tpu.memory_space<vmem>>
      %dma_start3A_284 = arith.constant 80 : i32
      %dma_start3A_285 = arith.constant 0 : i32
      %dma_start3A_286 = tpu.memref_slice %arg4[%dma_start3A_284, %dma_start3A_285] : memref<100000x128xf32, #tpu.memory_space<hbm>> -> memref<16x128xf32, #tpu.memory_space<hbm>>
      tpu.enqueue_dma source(%dma_start3A_286 : memref<16x128xf32, #tpu.memory_space<hbm>>) target(%dma_start3A_283 : memref<16x128xf32, #tpu.memory_space<vmem>>) target_semaphore(%arg10 : memref<!tpu.dma_semaphore, #tpu.memory_space<semaphore_mem>>)
      %dma_start3A_287 = arith.constant 96 : i32
      %dma_start3A_288 = arith.constant 0 : i32
      %dma_start3A_289 = tpu.memref_slice %arg7[%dma_start3A_287, %dma_start3A_288] : memref<208x128xf32, #tpu.memory_space<vmem>> -> memref<16x128xf32, #tpu.memory_space<vmem>>
      %dma_start3A_290 = arith.constant 96 : i32
      %dma_start3A_291 = arith.constant 0 : i32
      %dma_start3A_292 = tpu.memref_slice %arg4[%dma_start3A_290, %dma_start3A_291] : memref<100000x128xf32, #tpu.memory_space<hbm>> -> memref<16x128xf32, #tpu.memory_space<hbm>>
      %dma_start3A_293 = arith.constant 96 : i32
      %dma_start3A_294 = arith.constant 0 : i32
      %dma_start3A_295 = tpu.memref_slice %arg7[%dma_start3A_293, %dma_start3A_294] : memref<208x128xf32, #tpu.memory_space<vmem>> -> memref<16x128xf32, #tpu.memory_space<vmem>>
      %dma_start3A_296 = arith.constant 96 : i32
      %dma_start3A_297 = arith.constant 0 : i32
      %dma_start3A_298 = tpu.memref_slice %arg4[%dma_start3A_296, %dma_start3A_297] : memref<100000x128xf32, #tpu.memory_space<hbm>> -> memref<16x128xf32, #tpu.memory_space<hbm>>
      tpu.enqueue_dma source(%dma_start3A_298 : memref<16x128xf32, #tpu.memory_space<hbm>>) target(%dma_start3A_295 : memref<16x128xf32, #tpu.memory_space<vmem>>) target_semaphore(%arg10 : memref<!tpu.dma_semaphore, #tpu.memory_space<semaphore_mem>>)
      %dma_start3A_299 = arith.constant 112 : i32
      %dma_start3A_300 = arith.constant 0 : i32
      %dma_start3A_301 = tpu.memref_slice %arg7[%dma_start3A_299, %dma_start3A_300] : memref<208x128xf32, #tpu.memory_space<vmem>> -> memref<16x128xf32, #tpu.memory_space<vmem>>
      %dma_start3A_302 = arith.constant 112 : i32
      %dma_start3A_303 = arith.constant 0 : i32
      %dma_start3A_304 = tpu.memref_slice %arg4[%dma_start3A_302, %dma_start3A_303] : memref<100000x128xf32, #tpu.memory_space<hbm>> -> memref<16x128xf32, #tpu.memory_space<hbm>>
      %dma_start3A_305 = arith.constant 112 : i32
      %dma_start3A_306 = arith.constant 0 : i32
      %dma_start3A_307 = tpu.memref_slice %arg7[%dma_start3A_305, %dma_start3A_306] : memref<208x128xf32, #tpu.memory_space<vmem>> -> memref<16x128xf32, #tpu.memory_space<vmem>>
      %dma_start3A_308 = arith.constant 112 : i32
      %dma_start3A_309 = arith.constant 0 : i32
      %dma_start3A_310 = tpu.memref_slice %arg4[%dma_start3A_308, %dma_start3A_309] : memref<100000x128xf32, #tpu.memory_space<hbm>> -> memref<16x128xf32, #tpu.memory_space<hbm>>
      tpu.enqueue_dma source(%dma_start3A_310 : memref<16x128xf32, #tpu.memory_space<hbm>>) target(%dma_start3A_307 : memref<16x128xf32, #tpu.memory_space<vmem>>) target_semaphore(%arg10 : memref<!tpu.dma_semaphore, #tpu.memory_space<semaphore_mem>>)
      %dma_start3A_311 = arith.constant 128 : i32
      %dma_start3A_312 = arith.constant 0 : i32
      %dma_start3A_313 = tpu.memref_slice %arg7[%dma_start3A_311, %dma_start3A_312] : memref<208x128xf32, #tpu.memory_space<vmem>> -> memref<16x128xf32, #tpu.memory_space<vmem>>
      %dma_start3A_314 = arith.constant 128 : i32
      %dma_start3A_315 = arith.constant 0 : i32
      %dma_start3A_316 = tpu.memref_slice %arg4[%dma_start3A_314, %dma_start3A_315] : memref<100000x128xf32, #tpu.memory_space<hbm>> -> memref<16x128xf32, #tpu.memory_space<hbm>>
      %dma_start3A_317 = arith.constant 128 : i32
      %dma_start3A_318 = arith.constant 0 : i32
      %dma_start3A_319 = tpu.memref_slice %arg7[%dma_start3A_317, %dma_start3A_318] : memref<208x128xf32, #tpu.memory_space<vmem>> -> memref<16x128xf32, #tpu.memory_space<vmem>>
      %dma_start3A_320 = arith.constant 128 : i32
      %dma_start3A_321 = arith.constant 0 : i32
      %dma_start3A_322 = tpu.memref_slice %arg4[%dma_start3A_320, %dma_start3A_321] : memref<100000x128xf32, #tpu.memory_space<hbm>> -> memref<16x128xf32, #tpu.memory_space<hbm>>
      tpu.enqueue_dma source(%dma_start3A_322 : memref<16x128xf32, #tpu.memory_space<hbm>>) target(%dma_start3A_319 : memref<16x128xf32, #tpu.memory_space<vmem>>) target_semaphore(%arg10 : memref<!tpu.dma_semaphore, #tpu.memory_space<semaphore_mem>>)
      %dma_start3A_323 = arith.constant 144 : i32
      %dma_start3A_324 = arith.constant 0 : i32
      %dma_start3A_325 = tpu.memref_slice %arg7[%dma_start3A_323, %dma_start3A_324] : memref<208x128xf32, #tpu.memory_space<vmem>> -> memref<16x128xf32, #tpu.memory_space<vmem>>
      %dma_start3A_326 = arith.constant 144 : i32
      %dma_start3A_327 = arith.constant 0 : i32
      %dma_start3A_328 = tpu.memref_slice %arg4[%dma_start3A_326, %dma_start3A_327] : memref<100000x128xf32, #tpu.memory_space<hbm>> -> memref<16x128xf32, #tpu.memory_space<hbm>>
      %dma_start3A_329 = arith.constant 144 : i32
      %dma_start3A_330 = arith.constant 0 : i32
      %dma_start3A_331 = tpu.memref_slice %arg7[%dma_start3A_329, %dma_start3A_330] : memref<208x128xf32, #tpu.memory_space<vmem>> -> memref<16x128xf32, #tpu.memory_space<vmem>>
      %dma_start3A_332 = arith.constant 144 : i32
      %dma_start3A_333 = arith.constant 0 : i32
      %dma_start3A_334 = tpu.memref_slice %arg4[%dma_start3A_332, %dma_start3A_333] : memref<100000x128xf32, #tpu.memory_space<hbm>> -> memref<16x128xf32, #tpu.memory_space<hbm>>
      tpu.enqueue_dma source(%dma_start3A_334 : memref<16x128xf32, #tpu.memory_space<hbm>>) target(%dma_start3A_331 : memref<16x128xf32, #tpu.memory_space<vmem>>) target_semaphore(%arg10 : memref<!tpu.dma_semaphore, #tpu.memory_space<semaphore_mem>>)
      %dma_start3A_335 = arith.constant 160 : i32
      %dma_start3A_336 = arith.constant 0 : i32
      %dma_start3A_337 = tpu.memref_slice %arg7[%dma_start3A_335, %dma_start3A_336] : memref<208x128xf32, #tpu.memory_space<vmem>> -> memref<16x128xf32, #tpu.memory_space<vmem>>
      %dma_start3A_338 = arith.constant 160 : i32
      %dma_start3A_339 = arith.constant 0 : i32
      %dma_start3A_340 = tpu.memref_slice %arg4[%dma_start3A_338, %dma_start3A_339] : memref<100000x128xf32, #tpu.memory_space<hbm>> -> memref<16x128xf32, #tpu.memory_space<hbm>>
      %dma_start3A_341 = arith.constant 160 : i32
      %dma_start3A_342 = arith.constant 0 : i32
      %dma_start3A_343 = tpu.memref_slice %arg7[%dma_start3A_341, %dma_start3A_342] : memref<208x128xf32, #tpu.memory_space<vmem>> -> memref<16x128xf32, #tpu.memory_space<vmem>>
      %dma_start3A_344 = arith.constant 160 : i32
      %dma_start3A_345 = arith.constant 0 : i32
      %dma_start3A_346 = tpu.memref_slice %arg4[%dma_start3A_344, %dma_start3A_345] : memref<100000x128xf32, #tpu.memory_space<hbm>> -> memref<16x128xf32, #tpu.memory_space<hbm>>
      tpu.enqueue_dma source(%dma_start3A_346 : memref<16x128xf32, #tpu.memory_space<hbm>>) target(%dma_start3A_343 : memref<16x128xf32, #tpu.memory_space<vmem>>) target_semaphore(%arg10 : memref<!tpu.dma_semaphore, #tpu.memory_space<semaphore_mem>>)
      %dma_start3A_347 = arith.constant 176 : i32
      %dma_start3A_348 = arith.constant 0 : i32
      %dma_start3A_349 = tpu.memref_slice %arg7[%dma_start3A_347, %dma_start3A_348] : memref<208x128xf32, #tpu.memory_space<vmem>> -> memref<16x128xf32, #tpu.memory_space<vmem>>
      %dma_start3A_350 = arith.constant 176 : i32
      %dma_start3A_351 = arith.constant 0 : i32
      %dma_start3A_352 = tpu.memref_slice %arg4[%dma_start3A_350, %dma_start3A_351] : memref<100000x128xf32, #tpu.memory_space<hbm>> -> memref<16x128xf32, #tpu.memory_space<hbm>>
      %dma_start3A_353 = arith.constant 176 : i32
      %dma_start3A_354 = arith.constant 0 : i32
      %dma_start3A_355 = tpu.memref_slice %arg7[%dma_start3A_353, %dma_start3A_354] : memref<208x128xf32, #tpu.memory_space<vmem>> -> memref<16x128xf32, #tpu.memory_space<vmem>>
      %dma_start3A_356 = arith.constant 176 : i32
      %dma_start3A_357 = arith.constant 0 : i32
      %dma_start3A_358 = tpu.memref_slice %arg4[%dma_start3A_356, %dma_start3A_357] : memref<100000x128xf32, #tpu.memory_space<hbm>> -> memref<16x128xf32, #tpu.memory_space<hbm>>
      tpu.enqueue_dma source(%dma_start3A_358 : memref<16x128xf32, #tpu.memory_space<hbm>>) target(%dma_start3A_355 : memref<16x128xf32, #tpu.memory_space<vmem>>) target_semaphore(%arg10 : memref<!tpu.dma_semaphore, #tpu.memory_space<semaphore_mem>>)
      %dma_start3A_359 = arith.constant 192 : i32
      %dma_start3A_360 = arith.constant 0 : i32
      %dma_start3A_361 = tpu.memref_slice %arg7[%dma_start3A_359, %dma_start3A_360] : memref<208x128xf32, #tpu.memory_space<vmem>> -> memref<16x128xf32, #tpu.memory_space<vmem>>
      %dma_start3A_362 = arith.constant 192 : i32
      %dma_start3A_363 = arith.constant 0 : i32
      %dma_start3A_364 = tpu.memref_slice %arg4[%dma_start3A_362, %dma_start3A_363] : memref<100000x128xf32, #tpu.memory_space<hbm>> -> memref<16x128xf32, #tpu.memory_space<hbm>>
      %dma_start3A_365 = arith.constant 192 : i32
      %dma_start3A_366 = arith.constant 0 : i32
      %dma_start3A_367 = tpu.memref_slice %arg7[%dma_start3A_365, %dma_start3A_366] : memref<208x128xf32, #tpu.memory_space<vmem>> -> memref<16x128xf32, #tpu.memory_space<vmem>>
      %dma_start3A_368 = arith.constant 192 : i32
      %dma_start3A_369 = arith.constant 0 : i32
      %dma_start3A_370 = tpu.memref_slice %arg4[%dma_start3A_368, %dma_start3A_369] : memref<100000x128xf32, #tpu.memory_space<hbm>> -> memref<16x128xf32, #tpu.memory_space<hbm>>
      tpu.enqueue_dma source(%dma_start3A_370 : memref<16x128xf32, #tpu.memory_space<hbm>>) target(%dma_start3A_367 : memref<16x128xf32, #tpu.memory_space<vmem>>) target_semaphore(%arg10 : memref<!tpu.dma_semaphore, #tpu.memory_space<semaphore_mem>>)
      %dma_wait3A = arith.constant 0 : i32
      %dma_wait3A_371 = arith.constant 0 : i32
      %dma_wait3A_372 = tpu.memref_slice %arg7[%dma_wait3A, %dma_wait3A_371] : memref<208x128xf32, #tpu.memory_space<vmem>> -> memref<16x128xf32, #tpu.memory_space<vmem>>
      %dma_wait3A_373 = arith.constant 0 : i32
      %dma_wait3A_374 = arith.constant 0 : i32
      %dma_wait3A_375 = tpu.memref_slice %arg4[%dma_wait3A_373, %dma_wait3A_374] : memref<100000x128xf32, #tpu.memory_space<hbm>> -> memref<16x128xf32, #tpu.memory_space<hbm>>
      %dma_wait3A_376 = arith.constant 0 : i32
      %dma_wait3A_377 = arith.constant 0 : i32
      %dma_wait3A_378 = tpu.memref_slice %arg7[%dma_wait3A_376, %dma_wait3A_377] : memref<208x128xf32, #tpu.memory_space<vmem>> -> memref<16x128xf32, #tpu.memory_space<vmem>>
      %dma_wait3A_379 = arith.constant 0 : i32
      %dma_wait3A_380 = arith.constant 0 : i32
      %dma_wait3A_381 = tpu.memref_slice %arg4[%dma_wait3A_379, %dma_wait3A_380] : memref<100000x128xf32, #tpu.memory_space<hbm>> -> memref<16x128xf32, #tpu.memory_space<hbm>>
      tpu.wait_dma2 semaphore(%arg10 : memref<!tpu.dma_semaphore, #tpu.memory_space<semaphore_mem>>) src(%dma_wait3A_381 : memref<16x128xf32, #tpu.memory_space<hbm>>) dst(%dma_wait3A_378 : memref<16x128xf32, #tpu.memory_space<vmem>>)
      %dma_wait3A_382 = arith.constant 16 : i32
      %dma_wait3A_383 = arith.constant 0 : i32
      %dma_wait3A_384 = tpu.memref_slice %arg7[%dma_wait3A_382, %dma_wait3A_383] : memref<208x128xf32, #tpu.memory_space<vmem>> -> memref<16x128xf32, #tpu.memory_space<vmem>>
      %dma_wait3A_385 = arith.constant 16 : i32
      %dma_wait3A_386 = arith.constant 0 : i32
      %dma_wait3A_387 = tpu.memref_slice %arg4[%dma_wait3A_385, %dma_wait3A_386] : memref<100000x128xf32, #tpu.memory_space<hbm>> -> memref<16x128xf32, #tpu.memory_space<hbm>>
      %dma_wait3A_388 = arith.constant 16 : i32
      %dma_wait3A_389 = arith.constant 0 : i32
      %dma_wait3A_390 = tpu.memref_slice %arg7[%dma_wait3A_388, %dma_wait3A_389] : memref<208x128xf32, #tpu.memory_space<vmem>> -> memref<16x128xf32, #tpu.memory_space<vmem>>
      %dma_wait3A_391 = arith.constant 16 : i32
      %dma_wait3A_392 = arith.constant 0 : i32
      %dma_wait3A_393 = tpu.memref_slice %arg4[%dma_wait3A_391, %dma_wait3A_392] : memref<100000x128xf32, #tpu.memory_space<hbm>> -> memref<16x128xf32, #tpu.memory_space<hbm>>
      tpu.wait_dma2 semaphore(%arg10 : memref<!tpu.dma_semaphore, #tpu.memory_space<semaphore_mem>>) src(%dma_wait3A_393 : memref<16x128xf32, #tpu.memory_space<hbm>>) dst(%dma_wait3A_390 : memref<16x128xf32, #tpu.memory_space<vmem>>)
      %dma_wait3A_394 = arith.constant 32 : i32
      %dma_wait3A_395 = arith.constant 0 : i32
      %dma_wait3A_396 = tpu.memref_slice %arg7[%dma_wait3A_394, %dma_wait3A_395] : memref<208x128xf32, #tpu.memory_space<vmem>> -> memref<16x128xf32, #tpu.memory_space<vmem>>
      %dma_wait3A_397 = arith.constant 32 : i32
      %dma_wait3A_398 = arith.constant 0 : i32
      %dma_wait3A_399 = tpu.memref_slice %arg4[%dma_wait3A_397, %dma_wait3A_398] : memref<100000x128xf32, #tpu.memory_space<hbm>> -> memref<16x128xf32, #tpu.memory_space<hbm>>
      %dma_wait3A_400 = arith.constant 32 : i32
      %dma_wait3A_401 = arith.constant 0 : i32
      %dma_wait3A_402 = tpu.memref_slice %arg7[%dma_wait3A_400, %dma_wait3A_401] : memref<208x128xf32, #tpu.memory_space<vmem>> -> memref<16x128xf32, #tpu.memory_space<vmem>>
      %dma_wait3A_403 = arith.constant 32 : i32
      %dma_wait3A_404 = arith.constant 0 : i32
      %dma_wait3A_405 = tpu.memref_slice %arg4[%dma_wait3A_403, %dma_wait3A_404] : memref<100000x128xf32, #tpu.memory_space<hbm>> -> memref<16x128xf32, #tpu.memory_space<hbm>>
      tpu.wait_dma2 semaphore(%arg10 : memref<!tpu.dma_semaphore, #tpu.memory_space<semaphore_mem>>) src(%dma_wait3A_405 : memref<16x128xf32, #tpu.memory_space<hbm>>) dst(%dma_wait3A_402 : memref<16x128xf32, #tpu.memory_space<vmem>>)
      %dma_wait3A_406 = arith.constant 48 : i32
      %dma_wait3A_407 = arith.constant 0 : i32
      %dma_wait3A_408 = tpu.memref_slice %arg7[%dma_wait3A_406, %dma_wait3A_407] : memref<208x128xf32, #tpu.memory_space<vmem>> -> memref<16x128xf32, #tpu.memory_space<vmem>>
      %dma_wait3A_409 = arith.constant 48 : i32
      %dma_wait3A_410 = arith.constant 0 : i32
      %dma_wait3A_411 = tpu.memref_slice %arg4[%dma_wait3A_409, %dma_wait3A_410] : memref<100000x128xf32, #tpu.memory_space<hbm>> -> memref<16x128xf32, #tpu.memory_space<hbm>>
      %dma_wait3A_412 = arith.constant 48 : i32
      %dma_wait3A_413 = arith.constant 0 : i32
      %dma_wait3A_414 = tpu.memref_slice %arg7[%dma_wait3A_412, %dma_wait3A_413] : memref<208x128xf32, #tpu.memory_space<vmem>> -> memref<16x128xf32, #tpu.memory_space<vmem>>
      %dma_wait3A_415 = arith.constant 48 : i32
      %dma_wait3A_416 = arith.constant 0 : i32
      %dma_wait3A_417 = tpu.memref_slice %arg4[%dma_wait3A_415, %dma_wait3A_416] : memref<100000x128xf32, #tpu.memory_space<hbm>> -> memref<16x128xf32, #tpu.memory_space<hbm>>
      tpu.wait_dma2 semaphore(%arg10 : memref<!tpu.dma_semaphore, #tpu.memory_space<semaphore_mem>>) src(%dma_wait3A_417 : memref<16x128xf32, #tpu.memory_space<hbm>>) dst(%dma_wait3A_414 : memref<16x128xf32, #tpu.memory_space<vmem>>)
      %dma_wait3A_418 = arith.constant 64 : i32
      %dma_wait3A_419 = arith.constant 0 : i32
      %dma_wait3A_420 = tpu.memref_slice %arg7[%dma_wait3A_418, %dma_wait3A_419] : memref<208x128xf32, #tpu.memory_space<vmem>> -> memref<16x128xf32, #tpu.memory_space<vmem>>
      %dma_wait3A_421 = arith.constant 64 : i32
      %dma_wait3A_422 = arith.constant 0 : i32
      %dma_wait3A_423 = tpu.memref_slice %arg4[%dma_wait3A_421, %dma_wait3A_422] : memref<100000x128xf32, #tpu.memory_space<hbm>> -> memref<16x128xf32, #tpu.memory_space<hbm>>
      %dma_wait3A_424 = arith.constant 64 : i32
      %dma_wait3A_425 = arith.constant 0 : i32
      %dma_wait3A_426 = tpu.memref_slice %arg7[%dma_wait3A_424, %dma_wait3A_425] : memref<208x128xf32, #tpu.memory_space<vmem>> -> memref<16x128xf32, #tpu.memory_space<vmem>>
      %dma_wait3A_427 = arith.constant 64 : i32
      %dma_wait3A_428 = arith.constant 0 : i32
      %dma_wait3A_429 = tpu.memref_slice %arg4[%dma_wait3A_427, %dma_wait3A_428] : memref<100000x128xf32, #tpu.memory_space<hbm>> -> memref<16x128xf32, #tpu.memory_space<hbm>>
      tpu.wait_dma2 semaphore(%arg10 : memref<!tpu.dma_semaphore, #tpu.memory_space<semaphore_mem>>) src(%dma_wait3A_429 : memref<16x128xf32, #tpu.memory_space<hbm>>) dst(%dma_wait3A_426 : memref<16x128xf32, #tpu.memory_space<vmem>>)
      %dma_wait3A_430 = arith.constant 80 : i32
      %dma_wait3A_431 = arith.constant 0 : i32
      %dma_wait3A_432 = tpu.memref_slice %arg7[%dma_wait3A_430, %dma_wait3A_431] : memref<208x128xf32, #tpu.memory_space<vmem>> -> memref<16x128xf32, #tpu.memory_space<vmem>>
      %dma_wait3A_433 = arith.constant 80 : i32
      %dma_wait3A_434 = arith.constant 0 : i32
      %dma_wait3A_435 = tpu.memref_slice %arg4[%dma_wait3A_433, %dma_wait3A_434] : memref<100000x128xf32, #tpu.memory_space<hbm>> -> memref<16x128xf32, #tpu.memory_space<hbm>>
      %dma_wait3A_436 = arith.constant 80 : i32
      %dma_wait3A_437 = arith.constant 0 : i32
      %dma_wait3A_438 = tpu.memref_slice %arg7[%dma_wait3A_436, %dma_wait3A_437] : memref<208x128xf32, #tpu.memory_space<vmem>> -> memref<16x128xf32, #tpu.memory_space<vmem>>
      %dma_wait3A_439 = arith.constant 80 : i32
      %dma_wait3A_440 = arith.constant 0 : i32
      %dma_wait3A_441 = tpu.memref_slice %arg4[%dma_wait3A_439, %dma_wait3A_440] : memref<100000x128xf32, #tpu.memory_space<hbm>> -> memref<16x128xf32, #tpu.memory_space<hbm>>
      tpu.wait_dma2 semaphore(%arg10 : memref<!tpu.dma_semaphore, #tpu.memory_space<semaphore_mem>>) src(%dma_wait3A_441 : memref<16x128xf32, #tpu.memory_space<hbm>>) dst(%dma_wait3A_438 : memref<16x128xf32, #tpu.memory_space<vmem>>)
      %dma_wait3A_442 = arith.constant 96 : i32
      %dma_wait3A_443 = arith.constant 0 : i32
      %dma_wait3A_444 = tpu.memref_slice %arg7[%dma_wait3A_442, %dma_wait3A_443] : memref<208x128xf32, #tpu.memory_space<vmem>> -> memref<16x128xf32, #tpu.memory_space<vmem>>
      %dma_wait3A_445 = arith.constant 96 : i32
      %dma_wait3A_446 = arith.constant 0 : i32
      %dma_wait3A_447 = tpu.memref_slice %arg4[%dma_wait3A_445, %dma_wait3A_446] : memref<100000x128xf32, #tpu.memory_space<hbm>> -> memref<16x128xf32, #tpu.memory_space<hbm>>
      %dma_wait3A_448 = arith.constant 96 : i32
      %dma_wait3A_449 = arith.constant 0 : i32
      %dma_wait3A_450 = tpu.memref_slice %arg7[%dma_wait3A_448, %dma_wait3A_449] : memref<208x128xf32, #tpu.memory_space<vmem>> -> memref<16x128xf32, #tpu.memory_space<vmem>>
      %dma_wait3A_451 = arith.constant 96 : i32
      %dma_wait3A_452 = arith.constant 0 : i32
      %dma_wait3A_453 = tpu.memref_slice %arg4[%dma_wait3A_451, %dma_wait3A_452] : memref<100000x128xf32, #tpu.memory_space<hbm>> -> memref<16x128xf32, #tpu.memory_space<hbm>>
      tpu.wait_dma2 semaphore(%arg10 : memref<!tpu.dma_semaphore, #tpu.memory_space<semaphore_mem>>) src(%dma_wait3A_453 : memref<16x128xf32, #tpu.memory_space<hbm>>) dst(%dma_wait3A_450 : memref<16x128xf32, #tpu.memory_space<vmem>>)
      %dma_wait3A_454 = arith.constant 112 : i32
      %dma_wait3A_455 = arith.constant 0 : i32
      %dma_wait3A_456 = tpu.memref_slice %arg7[%dma_wait3A_454, %dma_wait3A_455] : memref<208x128xf32, #tpu.memory_space<vmem>> -> memref<16x128xf32, #tpu.memory_space<vmem>>
      %dma_wait3A_457 = arith.constant 112 : i32
      %dma_wait3A_458 = arith.constant 0 : i32
      %dma_wait3A_459 = tpu.memref_slice %arg4[%dma_wait3A_457, %dma_wait3A_458] : memref<100000x128xf32, #tpu.memory_space<hbm>> -> memref<16x128xf32, #tpu.memory_space<hbm>>
      %dma_wait3A_460 = arith.constant 112 : i32
      %dma_wait3A_461 = arith.constant 0 : i32
      %dma_wait3A_462 = tpu.memref_slice %arg7[%dma_wait3A_460, %dma_wait3A_461] : memref<208x128xf32, #tpu.memory_space<vmem>> -> memref<16x128xf32, #tpu.memory_space<vmem>>
      %dma_wait3A_463 = arith.constant 112 : i32
      %dma_wait3A_464 = arith.constant 0 : i32
      %dma_wait3A_465 = tpu.memref_slice %arg4[%dma_wait3A_463, %dma_wait3A_464] : memref<100000x128xf32, #tpu.memory_space<hbm>> -> memref<16x128xf32, #tpu.memory_space<hbm>>
      tpu.wait_dma2 semaphore(%arg10 : memref<!tpu.dma_semaphore, #tpu.memory_space<semaphore_mem>>) src(%dma_wait3A_465 : memref<16x128xf32, #tpu.memory_space<hbm>>) dst(%dma_wait3A_462 : memref<16x128xf32, #tpu.memory_space<vmem>>)
      %dma_wait3A_466 = arith.constant 128 : i32
      %dma_wait3A_467 = arith.constant 0 : i32
      %dma_wait3A_468 = tpu.memref_slice %arg7[%dma_wait3A_466, %dma_wait3A_467] : memref<208x128xf32, #tpu.memory_space<vmem>> -> memref<16x128xf32, #tpu.memory_space<vmem>>
      %dma_wait3A_469 = arith.constant 128 : i32
      %dma_wait3A_470 = arith.constant 0 : i32
      %dma_wait3A_471 = tpu.memref_slice %arg4[%dma_wait3A_469, %dma_wait3A_470] : memref<100000x128xf32, #tpu.memory_space<hbm>> -> memref<16x128xf32, #tpu.memory_space<hbm>>
      %dma_wait3A_472 = arith.constant 128 : i32
      %dma_wait3A_473 = arith.constant 0 : i32
      %dma_wait3A_474 = tpu.memref_slice %arg7[%dma_wait3A_472, %dma_wait3A_473] : memref<208x128xf32, #tpu.memory_space<vmem>> -> memref<16x128xf32, #tpu.memory_space<vmem>>
      %dma_wait3A_475 = arith.constant 128 : i32
      %dma_wait3A_476 = arith.constant 0 : i32
      %dma_wait3A_477 = tpu.memref_slice %arg4[%dma_wait3A_475, %dma_wait3A_476] : memref<100000x128xf32, #tpu.memory_space<hbm>> -> memref<16x128xf32, #tpu.memory_space<hbm>>
      tpu.wait_dma2 semaphore(%arg10 : memref<!tpu.dma_semaphore, #tpu.memory_space<semaphore_mem>>) src(%dma_wait3A_477 : memref<16x128xf32, #tpu.memory_space<hbm>>) dst(%dma_wait3A_474 : memref<16x128xf32, #tpu.memory_space<vmem>>)
      %dma_wait3A_478 = arith.constant 144 : i32
      %dma_wait3A_479 = arith.constant 0 : i32
      %dma_wait3A_480 = tpu.memref_slice %arg7[%dma_wait3A_478, %dma_wait3A_479] : memref<208x128xf32, #tpu.memory_space<vmem>> -> memref<16x128xf32, #tpu.memory_space<vmem>>
      %dma_wait3A_481 = arith.constant 144 : i32
      %dma_wait3A_482 = arith.constant 0 : i32
      %dma_wait3A_483 = tpu.memref_slice %arg4[%dma_wait3A_481, %dma_wait3A_482] : memref<100000x128xf32, #tpu.memory_space<hbm>> -> memref<16x128xf32, #tpu.memory_space<hbm>>
      %dma_wait3A_484 = arith.constant 144 : i32
      %dma_wait3A_485 = arith.constant 0 : i32
      %dma_wait3A_486 = tpu.memref_slice %arg7[%dma_wait3A_484, %dma_wait3A_485] : memref<208x128xf32, #tpu.memory_space<vmem>> -> memref<16x128xf32, #tpu.memory_space<vmem>>
      %dma_wait3A_487 = arith.constant 144 : i32
      %dma_wait3A_488 = arith.constant 0 : i32
      %dma_wait3A_489 = tpu.memref_slice %arg4[%dma_wait3A_487, %dma_wait3A_488] : memref<100000x128xf32, #tpu.memory_space<hbm>> -> memref<16x128xf32, #tpu.memory_space<hbm>>
      tpu.wait_dma2 semaphore(%arg10 : memref<!tpu.dma_semaphore, #tpu.memory_space<semaphore_mem>>) src(%dma_wait3A_489 : memref<16x128xf32, #tpu.memory_space<hbm>>) dst(%dma_wait3A_486 : memref<16x128xf32, #tpu.memory_space<vmem>>)
      %dma_wait3A_490 = arith.constant 160 : i32
      %dma_wait3A_491 = arith.constant 0 : i32
      %dma_wait3A_492 = tpu.memref_slice %arg7[%dma_wait3A_490, %dma_wait3A_491] : memref<208x128xf32, #tpu.memory_space<vmem>> -> memref<16x128xf32, #tpu.memory_space<vmem>>
      %dma_wait3A_493 = arith.constant 160 : i32
      %dma_wait3A_494 = arith.constant 0 : i32
      %dma_wait3A_495 = tpu.memref_slice %arg4[%dma_wait3A_493, %dma_wait3A_494] : memref<100000x128xf32, #tpu.memory_space<hbm>> -> memref<16x128xf32, #tpu.memory_space<hbm>>
      %dma_wait3A_496 = arith.constant 160 : i32
      %dma_wait3A_497 = arith.constant 0 : i32
      %dma_wait3A_498 = tpu.memref_slice %arg7[%dma_wait3A_496, %dma_wait3A_497] : memref<208x128xf32, #tpu.memory_space<vmem>> -> memref<16x128xf32, #tpu.memory_space<vmem>>
      %dma_wait3A_499 = arith.constant 160 : i32
      %dma_wait3A_500 = arith.constant 0 : i32
      %dma_wait3A_501 = tpu.memref_slice %arg4[%dma_wait3A_499, %dma_wait3A_500] : memref<100000x128xf32, #tpu.memory_space<hbm>> -> memref<16x128xf32, #tpu.memory_space<hbm>>
      tpu.wait_dma2 semaphore(%arg10 : memref<!tpu.dma_semaphore, #tpu.memory_space<semaphore_mem>>) src(%dma_wait3A_501 : memref<16x128xf32, #tpu.memory_space<hbm>>) dst(%dma_wait3A_498 : memref<16x128xf32, #tpu.memory_space<vmem>>)
      %dma_wait3A_502 = arith.constant 176 : i32
      %dma_wait3A_503 = arith.constant 0 : i32
      %dma_wait3A_504 = tpu.memref_slice %arg7[%dma_wait3A_502, %dma_wait3A_503] : memref<208x128xf32, #tpu.memory_space<vmem>> -> memref<16x128xf32, #tpu.memory_space<vmem>>
      %dma_wait3A_505 = arith.constant 176 : i32
      %dma_wait3A_506 = arith.constant 0 : i32
      %dma_wait3A_507 = tpu.memref_slice %arg4[%dma_wait3A_505, %dma_wait3A_506] : memref<100000x128xf32, #tpu.memory_space<hbm>> -> memref<16x128xf32, #tpu.memory_space<hbm>>
      %dma_wait3A_508 = arith.constant 176 : i32
      %dma_wait3A_509 = arith.constant 0 : i32
      %dma_wait3A_510 = tpu.memref_slice %arg7[%dma_wait3A_508, %dma_wait3A_509] : memref<208x128xf32, #tpu.memory_space<vmem>> -> memref<16x128xf32, #tpu.memory_space<vmem>>
      %dma_wait3A_511 = arith.constant 176 : i32
      %dma_wait3A_512 = arith.constant 0 : i32
      %dma_wait3A_513 = tpu.memref_slice %arg4[%dma_wait3A_511, %dma_wait3A_512] : memref<100000x128xf32, #tpu.memory_space<hbm>> -> memref<16x128xf32, #tpu.memory_space<hbm>>
      tpu.wait_dma2 semaphore(%arg10 : memref<!tpu.dma_semaphore, #tpu.memory_space<semaphore_mem>>) src(%dma_wait3A_513 : memref<16x128xf32, #tpu.memory_space<hbm>>) dst(%dma_wait3A_510 : memref<16x128xf32, #tpu.memory_space<vmem>>)
      %dma_wait3A_514 = arith.constant 192 : i32
      %dma_wait3A_515 = arith.constant 0 : i32
      %dma_wait3A_516 = tpu.memref_slice %arg7[%dma_wait3A_514, %dma_wait3A_515] : memref<208x128xf32, #tpu.memory_space<vmem>> -> memref<16x128xf32, #tpu.memory_space<vmem>>
      %dma_wait3A_517 = arith.constant 192 : i32
      %dma_wait3A_518 = arith.constant 0 : i32
      %dma_wait3A_519 = tpu.memref_slice %arg4[%dma_wait3A_517, %dma_wait3A_518] : memref<100000x128xf32, #tpu.memory_space<hbm>> -> memref<16x128xf32, #tpu.memory_space<hbm>>
      %dma_wait3A_520 = arith.constant 192 : i32
      %dma_wait3A_521 = arith.constant 0 : i32
      %dma_wait3A_522 = tpu.memref_slice %arg7[%dma_wait3A_520, %dma_wait3A_521] : memref<208x128xf32, #tpu.memory_space<vmem>> -> memref<16x128xf32, #tpu.memory_space<vmem>>
      %dma_wait3A_523 = arith.constant 192 : i32
      %dma_wait3A_524 = arith.constant 0 : i32
      %dma_wait3A_525 = tpu.memref_slice %arg4[%dma_wait3A_523, %dma_wait3A_524] : memref<100000x128xf32, #tpu.memory_space<hbm>> -> memref<16x128xf32, #tpu.memory_space<hbm>>
      tpu.wait_dma2 semaphore(%arg10 : memref<!tpu.dma_semaphore, #tpu.memory_space<semaphore_mem>>) src(%dma_wait3A_525 : memref<16x128xf32, #tpu.memory_space<hbm>>) dst(%dma_wait3A_522 : memref<16x128xf32, #tpu.memory_space<vmem>>)
      %broadcast_in_dim3A_526 = arith.constant 0.000000e+00 : f32
      %broadcast_in_dim3A_527 = vector.broadcast %broadcast_in_dim3A_526 : f32 to vector<16xf32>
      %broadcast_in_dim3A_528 = arith.constant 0.000000e+00 : f32
      %broadcast_in_dim3A_529 = vector.broadcast %broadcast_in_dim3A_528 : f32 to vector<16xf32>
      %broadcast_in_dim3A_530 = arith.constant 0.000000e+00 : f32
      %broadcast_in_dim3A_531 = vector.broadcast %broadcast_in_dim3A_530 : f32 to vector<16xf32>
      %broadcast_in_dim3A_532 = arith.constant 0.000000e+00 : f32
      %broadcast_in_dim3A_533 = vector.broadcast %broadcast_in_dim3A_532 : f32 to vector<16xf32>
      %broadcast_in_dim3A_534 = arith.constant 0.000000e+00 : f32
      %broadcast_in_dim3A_535 = vector.broadcast %broadcast_in_dim3A_534 : f32 to vector<16xf32>
      %broadcast_in_dim3A_536 = arith.constant 0.000000e+00 : f32
      %broadcast_in_dim3A_537 = vector.broadcast %broadcast_in_dim3A_536 : f32 to vector<16xf32>
      %broadcast_in_dim3A_538 = arith.constant 0.000000e+00 : f32
      %broadcast_in_dim3A_539 = vector.broadcast %broadcast_in_dim3A_538 : f32 to vector<16xf32>
      %broadcast_in_dim3A_540 = arith.constant 0.000000e+00 : f32
      %broadcast_in_dim3A_541 = vector.broadcast %broadcast_in_dim3A_540 : f32 to vector<16xf32>
      %scan3A_542 = arith.constant 0 : i32
      %scan3A_543 = arith.constant 208 : i32
      %scan3A_544 = arith.addi %scan3A_542, %scan3A_543 : i32
      %scan3A_545 = arith.constant 1 : i32
      %scan3A_546:8 = scf.for %scan3A_1294 = %scan3A_542 to %scan3A_544 step %scan3A_545 iter_args(%scan3A_1295 = %broadcast_in_dim3A_527, %scan3A_1296 = %broadcast_in_dim3A_529, %scan3A_1297 = %broadcast_in_dim3A_531, %scan3A_1298 = %broadcast_in_dim3A_533, %scan3A_1299 = %broadcast_in_dim3A_535, %scan3A_1300 = %broadcast_in_dim3A_537, %scan3A_1301 = %broadcast_in_dim3A_539, %scan3A_1302 = %broadcast_in_dim3A_541) -> (vector<16xf32>, vector<16xf32>, vector<16xf32>, vector<16xf32>, vector<16xf32>, vector<16xf32>, vector<16xf32>, vector<16xf32>)  : i32 {
        %get3A_1303 = arith.index_cast %scan3A_1294 : i32 to index
        %get3A_1304 = arith.constant 0 : index
        %get3A_1305 = tpu.vector_load %arg7[%get3A_1303, %get3A_1304] {strides = array<i32>} : memref<208x128xf32, #tpu.memory_space<vmem>>, vector<16xf32>,
        %add3A_1306 = arith.addf %scan3A_1295, %get3A_1305 : vector<16xf32>
        %get3A_1307 = arith.index_cast %scan3A_1294 : i32 to index
        %get3A_1308 = arith.constant 16 : index
        %get3A_1309 = tpu.vector_load %arg7[%get3A_1307, %get3A_1308] {strides = array<i32>} : memref<208x128xf32, #tpu.memory_space<vmem>>, vector<16xf32>,
        %add3A_1310 = arith.addf %scan3A_1296, %get3A_1309 : vector<16xf32>
        %get3A_1311 = arith.index_cast %scan3A_1294 : i32 to index
        %get3A_1312 = arith.constant 32 : index
        %get3A_1313 = tpu.vector_load %arg7[%get3A_1311, %get3A_1312] {strides = array<i32>} : memref<208x128xf32, #tpu.memory_space<vmem>>, vector<16xf32>,
        %add3A_1314 = arith.addf %scan3A_1297, %get3A_1313 : vector<16xf32>
        %get3A_1315 = arith.index_cast %scan3A_1294 : i32 to index
        %get3A_1316 = arith.constant 48 : index
        %get3A_1317 = tpu.vector_load %arg7[%get3A_1315, %get3A_1316] {strides = array<i32>} : memref<208x128xf32, #tpu.memory_space<vmem>>, vector<16xf32>,
        %add3A_1318 = arith.addf %scan3A_1298, %get3A_1317 : vector<16xf32>
        %get3A_1319 = arith.index_cast %scan3A_1294 : i32 to index
        %get3A_1320 = arith.constant 64 : index
        %get3A_1321 = tpu.vector_load %arg7[%get3A_1319, %get3A_1320] {strides = array<i32>} : memref<208x128xf32, #tpu.memory_space<vmem>>, vector<16xf32>,
        %add3A_1322 = arith.addf %scan3A_1299, %get3A_1321 : vector<16xf32>
        %get3A_1323 = arith.index_cast %scan3A_1294 : i32 to index
        %get3A_1324 = arith.constant 80 : index
        %get3A_1325 = tpu.vector_load %arg7[%get3A_1323, %get3A_1324] {strides = array<i32>} : memref<208x128xf32, #tpu.memory_space<vmem>>, vector<16xf32>,
        %add3A_1326 = arith.addf %scan3A_1300, %get3A_1325 : vector<16xf32>
        %get3A_1327 = arith.index_cast %scan3A_1294 : i32 to index
        %get3A_1328 = arith.constant 96 : index
        %get3A_1329 = tpu.vector_load %arg7[%get3A_1327, %get3A_1328] {strides = array<i32>} : memref<208x128xf32, #tpu.memory_space<vmem>>, vector<16xf32>,
        %add3A_1330 = arith.addf %scan3A_1301, %get3A_1329 : vector<16xf32>
        %get3A_1331 = arith.index_cast %scan3A_1294 : i32 to index
        %get3A_1332 = arith.constant 112 : index
        %get3A_1333 = tpu.vector_load %arg7[%get3A_1331, %get3A_1332] {strides = array<i32>} : memref<208x128xf32, #tpu.memory_space<vmem>>, vector<16xf32>,
        %add3A_1334 = arith.addf %scan3A_1302, %get3A_1333 : vector<16xf32>
        scf.yield %add3A_1306, %add3A_1310, %add3A_1314, %add3A_1318, %add3A_1322, %add3A_1326, %add3A_1330, %add3A_1334 : vector<16xf32>, vector<16xf32>, vector<16xf32>, vector<16xf32>, vector<16xf32>, vector<16xf32>, vector<16xf32>, vector<16xf32>
      }
      %scan3A_547 = arith.constant 208 : i32
      %sub3A = arith.constant 208 : i32
      %sub3A_548 = arith.subi %sub3A, %add3A_210 : i32
      %broadcast_in_dim3A_549 = vector.broadcast %sub3A_548 : i32 to vector<16xi32>
      %convert_element_type3A_550 = arith.sitofp %broadcast_in_dim3A_549 : vector<16xi32> to vector<16xf32>
      %broadcast_in_dim3A_551 = vector.broadcast %add3A_210 : i32 to vector<16xi32>
      %convert_element_type3A_552 = arith.sitofp %broadcast_in_dim3A_551 : vector<16xi32> to vector<16xf32>
      %max3A = arith.constant 9.99999997E-7 : f32
      %max3A_553 = vector.broadcast %max3A : f32 to vector<16xf32>
      %max3A_554 = arith.maximumf %convert_element_type3A_552, %max3A_553 : vector<16xf32>
      %get3A_555 = arith.constant 0 : index
      %get3A_556 = tpu.vector_load %arg8[%get3A_555] {strides = array<i32>} : memref<128xf32, #tpu.memory_space<vmem>>, vector<16xf32>,
      %mul3A_557 = arith.mulf %convert_element_type3A_550, %get3A_556 : vector<16xf32>
      %sub3A_558 = arith.subf %scan3A_546#0, %mul3A_557 : vector<16xf32>
      %div3A = arith.divf %sub3A_558, %max3A_554 : vector<16xf32>
      %get3A_559 = arith.constant 16 : index
      %get3A_560 = tpu.vector_load %arg8[%get3A_559] {strides = array<i32>} : memref<128xf32, #tpu.memory_space<vmem>>, vector<16xf32>,
      %mul3A_561 = arith.mulf %convert_element_type3A_550, %get3A_560 : vector<16xf32>
      %sub3A_562 = arith.subf %scan3A_546#1, %mul3A_561 : vector<16xf32>
      %div3A_563 = arith.divf %sub3A_562, %max3A_554 : vector<16xf32>
      %get3A_564 = arith.constant 32 : index
      %get3A_565 = tpu.vector_load %arg8[%get3A_564] {strides = array<i32>} : memref<128xf32, #tpu.memory_space<vmem>>, vector<16xf32>,
      %mul3A_566 = arith.mulf %convert_element_type3A_550, %get3A_565 : vector<16xf32>
      %sub3A_567 = arith.subf %scan3A_546#2, %mul3A_566 : vector<16xf32>
      %div3A_568 = arith.divf %sub3A_567, %max3A_554 : vector<16xf32>
      %get3A_569 = arith.constant 48 : index
      %get3A_570 = tpu.vector_load %arg8[%get3A_569] {strides = array<i32>} : memref<128xf32, #tpu.memory_space<vmem>>, vector<16xf32>,
      %mul3A_571 = arith.mulf %convert_element_type3A_550, %get3A_570 : vector<16xf32>
      %sub3A_572 = arith.subf %scan3A_546#3, %mul3A_571 : vector<16xf32>
      %div3A_573 = arith.divf %sub3A_572, %max3A_554 : vector<16xf32>
      %get3A_574 = arith.constant 64 : index
      %get3A_575 = tpu.vector_load %arg8[%get3A_574] {strides = array<i32>} : memref<128xf32, #tpu.memory_space<vmem>>, vector<16xf32>,
      %mul3A_576 = arith.mulf %convert_element_type3A_550, %get3A_575 : vector<16xf32>
      %sub3A_577 = arith.subf %scan3A_546#4, %mul3A_576 : vector<16xf32>
      %div3A_578 = arith.divf %sub3A_577, %max3A_554 : vector<16xf32>
      %get3A_579 = arith.constant 80 : index
      %get3A_580 = tpu.vector_load %arg8[%get3A_579] {strides = array<i32>} : memref<128xf32, #tpu.memory_space<vmem>>, vector<16xf32>,
      %mul3A_581 = arith.mulf %convert_element_type3A_550, %get3A_580 : vector<16xf32>
      %sub3A_582 = arith.subf %scan3A_546#5, %mul3A_581 : vector<16xf32>
      %div3A_583 = arith.divf %sub3A_582, %max3A_554 : vector<16xf32>
      %get3A_584 = arith.constant 96 : index
      %get3A_585 = tpu.vector_load %arg8[%get3A_584] {strides = array<i32>} : memref<128xf32, #tpu.memory_space<vmem>>, vector<16xf32>,
      %mul3A_586 = arith.mulf %convert_element_type3A_550, %get3A_585 : vector<16xf32>
      %sub3A_587 = arith.subf %scan3A_546#6, %mul3A_586 : vector<16xf32>
      %div3A_588 = arith.divf %sub3A_587, %max3A_554 : vector<16xf32>
      %get3A_589 = arith.constant 112 : index
      %get3A_590 = tpu.vector_load %arg8[%get3A_589] {strides = array<i32>} : memref<128xf32, #tpu.memory_space<vmem>>, vector<16xf32>,
      %mul3A_591 = arith.mulf %convert_element_type3A_550, %get3A_590 : vector<16xf32>
      %sub3A_592 = arith.subf %scan3A_546#7, %mul3A_591 : vector<16xf32>
      %div3A_593 = arith.divf %sub3A_592, %max3A_554 : vector<16xf32>
      "tpu.region"() ({
        %run_scoped3A_1294 = tpu.sem_alloc : memref<!tpu.dma_semaphore, #tpu.memory_space<semaphore_mem>>
        %dma_start3A_1295 = arith.constant 0 : i32
        %dma_start3A_1296 = tpu.memref_slice %arg6[%dma_start3A_1295] : memref<208xi32, #tpu.memory_space<vmem>> -> memref<200xi32, #tpu.memory_space<vmem>>
        %dma_start3A_1297 = arith.constant 0 : i32
        %dma_start3A_1298 = tpu.memref_slice %arg3[%add3A_12, %dma_start3A_1297] : memref<1024x200xi32, #tpu.memory_space<hbm>> -> memref<1x200xi32, #tpu.memory_space<hbm>>
        %dma_start3A_1299 = tpu.memref_squeeze %dma_start3A_1298 : memref<1x200xi32, #tpu.memory_space<hbm>> -> memref<200xi32, #tpu.memory_space<hbm>>
        %dma_start3A_1300 = arith.constant 0 : i32
        %dma_start3A_1301 = tpu.memref_slice %arg6[%dma_start3A_1300] : memref<208xi32, #tpu.memory_space<vmem>> -> memref<200xi32, #tpu.memory_space<vmem>>
        %dma_start3A_1302 = arith.constant 0 : i32
        %dma_start3A_1303 = tpu.memref_slice %arg3[%add3A_12, %dma_start3A_1302] : memref<1024x200xi32, #tpu.memory_space<hbm>> -> memref<1x200xi32, #tpu.memory_space<hbm>>
        %dma_start3A_1304 = tpu.memref_squeeze %dma_start3A_1303 : memref<1x200xi32, #tpu.memory_space<hbm>> -> memref<200xi32, #tpu.memory_space<hbm>>
        tpu.enqueue_dma source(%dma_start3A_1304 : memref<200xi32, #tpu.memory_space<hbm>>) target(%dma_start3A_1301 : memref<200xi32, #tpu.memory_space<vmem>>) target_semaphore(%run_scoped3A_1294 : memref<!tpu.dma_semaphore, #tpu.memory_space<semaphore_mem>>)
        %dma_wait3A_1305 = arith.constant 0 : i32
        %dma_wait3A_1306 = tpu.memref_slice %arg6[%dma_wait3A_1305] : memref<208xi32, #tpu.memory_space<vmem>> -> memref<200xi32, #tpu.memory_space<vmem>>
        %dma_wait3A_1307 = arith.constant 0 : i32
        %dma_wait3A_1308 = tpu.memref_slice %arg3[%add3A_12, %dma_wait3A_1307] : memref<1024x200xi32, #tpu.memory_space<hbm>> -> memref<1x200xi32, #tpu.memory_space<hbm>>
        %dma_wait3A_1309 = tpu.memref_squeeze %dma_wait3A_1308 : memref<1x200xi32, #tpu.memory_space<hbm>> -> memref<200xi32, #tpu.memory_space<hbm>>
        %dma_wait3A_1310 = arith.constant 0 : i32
        %dma_wait3A_1311 = tpu.memref_slice %arg6[%dma_wait3A_1310] : memref<208xi32, #tpu.memory_space<vmem>> -> memref<200xi32, #tpu.memory_space<vmem>>
        %dma_wait3A_1312 = arith.constant 0 : i32
        %dma_wait3A_1313 = tpu.memref_slice %arg3[%add3A_12, %dma_wait3A_1312] : memref<1024x200xi32, #tpu.memory_space<hbm>> -> memref<1x200xi32, #tpu.memory_space<hbm>>
        %dma_wait3A_1314 = tpu.memref_squeeze %dma_wait3A_1313 : memref<1x200xi32, #tpu.memory_space<hbm>> -> memref<200xi32, #tpu.memory_space<hbm>>
        tpu.wait_dma2 semaphore(%run_scoped3A_1294 : memref<!tpu.dma_semaphore, #tpu.memory_space<semaphore_mem>>) src(%dma_wait3A_1314 : memref<200xi32, #tpu.memory_space<hbm>>) dst(%dma_wait3A_1311 : memref<200xi32, #tpu.memory_space<vmem>>)
        tpu.yield
      }) : () -> ()
      %get3A_594 = arith.constant 0 : index
      %get3A_595 = tpu.vector_load %arg6[%get3A_594] {strides = array<i32>} : memref<208xi32, #tpu.memory_space<vmem>>, vector<16xi32>,
      %ge3A_596 = arith.constant 0 : i32
      %ge3A_597 = vector.broadcast %ge3A_596 : i32 to vector<16xi32>
      %ge3A_598 = arith.cmpi sge, %get3A_595, %ge3A_597 : vector<16xi32>
      %convert_element_type3A_599 = arith.extui %ge3A_598 : vector<16xi1> to vector<16xi32>
      %reduce_sum3A_600 = arith.constant true
      %reduce_sum3A_601 = vector.broadcast %reduce_sum3A_600 : i1 to vector<16xi1>
      %reduce_sum3A_602 = tpu.scan <sum>, %convert_element_type3A_599 masked %reduce_sum3A_601 : vector<16xi32>, vector<16xi1> -> vector<16xi32>
      %reduce_sum3A_603 = vector.extract %reduce_sum3A_602[15] : i32 from vector<16xi32>
      %add3A_604 = arith.constant 0 : i32
      %add3A_605 = arith.addi %add3A_604, %reduce_sum3A_603 : i32
      %jit3A_606 = arith.constant 0 : i32
      %broadcast_in_dim3A_607 = vector.broadcast %jit3A_606 : i32 to vector<16xi32>
      %select_n3A_608 = arith.select %ge3A_598, %get3A_595, %broadcast_in_dim3A_607 : vector<16xi1>, vector<16xi32>
      %swap3A_609 = arith.constant 0 : index
      %swap3A_610 = tpu.vector_load %arg6[%swap3A_609] {strides = array<i32>} : memref<208xi32, #tpu.memory_space<vmem>>, vector<16xi32>,
      tpu.vector_store %arg6[%swap3A_609], %select_n3A_608 {strides = array<i32>} : memref<208xi32, #tpu.memory_space<vmem>>, vector<16xi32>,
      %get3A_611 = arith.constant 16 : index
      %get3A_612 = tpu.vector_load %arg6[%get3A_611] {strides = array<i32>} : memref<208xi32, #tpu.memory_space<vmem>>, vector<16xi32>,
      %ge3A_613 = arith.constant 0 : i32
      %ge3A_614 = vector.broadcast %ge3A_613 : i32 to vector<16xi32>
      %ge3A_615 = arith.cmpi sge, %get3A_612, %ge3A_614 : vector<16xi32>
      %convert_element_type3A_616 = arith.extui %ge3A_615 : vector<16xi1> to vector<16xi32>
      %reduce_sum3A_617 = arith.constant true
      %reduce_sum3A_618 = vector.broadcast %reduce_sum3A_617 : i1 to vector<16xi1>
      %reduce_sum3A_619 = tpu.scan <sum>, %convert_element_type3A_616 masked %reduce_sum3A_618 : vector<16xi32>, vector<16xi1> -> vector<16xi32>
      %reduce_sum3A_620 = vector.extract %reduce_sum3A_619[15] : i32 from vector<16xi32>
      %add3A_621 = arith.addi %add3A_605, %reduce_sum3A_620 : i32
      %jit3A_622 = arith.constant 0 : i32
      %broadcast_in_dim3A_623 = vector.broadcast %jit3A_622 : i32 to vector<16xi32>
      %select_n3A_624 = arith.select %ge3A_615, %get3A_612, %broadcast_in_dim3A_623 : vector<16xi1>, vector<16xi32>
      %swap3A_625 = arith.constant 16 : index
      %swap3A_626 = tpu.vector_load %arg6[%swap3A_625] {strides = array<i32>} : memref<208xi32, #tpu.memory_space<vmem>>, vector<16xi32>,
      tpu.vector_store %arg6[%swap3A_625], %select_n3A_624 {strides = array<i32>} : memref<208xi32, #tpu.memory_space<vmem>>, vector<16xi32>,
      %get3A_627 = arith.constant 32 : index
      %get3A_628 = tpu.vector_load %arg6[%get3A_627] {strides = array<i32>} : memref<208xi32, #tpu.memory_space<vmem>>, vector<16xi32>,
      %ge3A_629 = arith.constant 0 : i32
      %ge3A_630 = vector.broadcast %ge3A_629 : i32 to vector<16xi32>
      %ge3A_631 = arith.cmpi sge, %get3A_628, %ge3A_630 : vector<16xi32>
      %convert_element_type3A_632 = arith.extui %ge3A_631 : vector<16xi1> to vector<16xi32>
      %reduce_sum3A_633 = arith.constant true
      %reduce_sum3A_634 = vector.broadcast %reduce_sum3A_633 : i1 to vector<16xi1>
      %reduce_sum3A_635 = tpu.scan <sum>, %convert_element_type3A_632 masked %reduce_sum3A_634 : vector<16xi32>, vector<16xi1> -> vector<16xi32>
      %reduce_sum3A_636 = vector.extract %reduce_sum3A_635[15] : i32 from vector<16xi32>
      %add3A_637 = arith.addi %add3A_621, %reduce_sum3A_636 : i32
      %jit3A_638 = arith.constant 0 : i32
      %broadcast_in_dim3A_639 = vector.broadcast %jit3A_638 : i32 to vector<16xi32>
      %select_n3A_640 = arith.select %ge3A_631, %get3A_628, %broadcast_in_dim3A_639 : vector<16xi1>, vector<16xi32>
      %swap3A_641 = arith.constant 32 : index
      %swap3A_642 = tpu.vector_load %arg6[%swap3A_641] {strides = array<i32>} : memref<208xi32, #tpu.memory_space<vmem>>, vector<16xi32>,
      tpu.vector_store %arg6[%swap3A_641], %select_n3A_640 {strides = array<i32>} : memref<208xi32, #tpu.memory_space<vmem>>, vector<16xi32>,
      %get3A_643 = arith.constant 48 : index
      %get3A_644 = tpu.vector_load %arg6[%get3A_643] {strides = array<i32>} : memref<208xi32, #tpu.memory_space<vmem>>, vector<16xi32>,
      %ge3A_645 = arith.constant 0 : i32
      %ge3A_646 = vector.broadcast %ge3A_645 : i32 to vector<16xi32>
      %ge3A_647 = arith.cmpi sge, %get3A_644, %ge3A_646 : vector<16xi32>
      %convert_element_type3A_648 = arith.extui %ge3A_647 : vector<16xi1> to vector<16xi32>
      %reduce_sum3A_649 = arith.constant true
      %reduce_sum3A_650 = vector.broadcast %reduce_sum3A_649 : i1 to vector<16xi1>
      %reduce_sum3A_651 = tpu.scan <sum>, %convert_element_type3A_648 masked %reduce_sum3A_650 : vector<16xi32>, vector<16xi1> -> vector<16xi32>
      %reduce_sum3A_652 = vector.extract %reduce_sum3A_651[15] : i32 from vector<16xi32>
      %add3A_653 = arith.addi %add3A_637, %reduce_sum3A_652 : i32
      %jit3A_654 = arith.constant 0 : i32
      %broadcast_in_dim3A_655 = vector.broadcast %jit3A_654 : i32 to vector<16xi32>
      %select_n3A_656 = arith.select %ge3A_647, %get3A_644, %broadcast_in_dim3A_655 : vector<16xi1>, vector<16xi32>
      %swap3A_657 = arith.constant 48 : index
      %swap3A_658 = tpu.vector_load %arg6[%swap3A_657] {strides = array<i32>} : memref<208xi32, #tpu.memory_space<vmem>>, vector<16xi32>,
      tpu.vector_store %arg6[%swap3A_657], %select_n3A_656 {strides = array<i32>} : memref<208xi32, #tpu.memory_space<vmem>>, vector<16xi32>,
      %get3A_659 = arith.constant 64 : index
      %get3A_660 = tpu.vector_load %arg6[%get3A_659] {strides = array<i32>} : memref<208xi32, #tpu.memory_space<vmem>>, vector<16xi32>,
      %ge3A_661 = arith.constant 0 : i32
      %ge3A_662 = vector.broadcast %ge3A_661 : i32 to vector<16xi32>
      %ge3A_663 = arith.cmpi sge, %get3A_660, %ge3A_662 : vector<16xi32>
      %convert_element_type3A_664 = arith.extui %ge3A_663 : vector<16xi1> to vector<16xi32>
      %reduce_sum3A_665 = arith.constant true
      %reduce_sum3A_666 = vector.broadcast %reduce_sum3A_665 : i1 to vector<16xi1>
      %reduce_sum3A_667 = tpu.scan <sum>, %convert_element_type3A_664 masked %reduce_sum3A_666 : vector<16xi32>, vector<16xi1> -> vector<16xi32>
      %reduce_sum3A_668 = vector.extract %reduce_sum3A_667[15] : i32 from vector<16xi32>
      %add3A_669 = arith.addi %add3A_653, %reduce_sum3A_668 : i32
      %jit3A_670 = arith.constant 0 : i32
      %broadcast_in_dim3A_671 = vector.broadcast %jit3A_670 : i32 to vector<16xi32>
      %select_n3A_672 = arith.select %ge3A_663, %get3A_660, %broadcast_in_dim3A_671 : vector<16xi1>, vector<16xi32>
      %swap3A_673 = arith.constant 64 : index
      %swap3A_674 = tpu.vector_load %arg6[%swap3A_673] {strides = array<i32>} : memref<208xi32, #tpu.memory_space<vmem>>, vector<16xi32>,
      tpu.vector_store %arg6[%swap3A_673], %select_n3A_672 {strides = array<i32>} : memref<208xi32, #tpu.memory_space<vmem>>, vector<16xi32>,
      %get3A_675 = arith.constant 80 : index
      %get3A_676 = tpu.vector_load %arg6[%get3A_675] {strides = array<i32>} : memref<208xi32, #tpu.memory_space<vmem>>, vector<16xi32>,
      %ge3A_677 = arith.constant 0 : i32
      %ge3A_678 = vector.broadcast %ge3A_677 : i32 to vector<16xi32>
      %ge3A_679 = arith.cmpi sge, %get3A_676, %ge3A_678 : vector<16xi32>
      %convert_element_type3A_680 = arith.extui %ge3A_679 : vector<16xi1> to vector<16xi32>
      %reduce_sum3A_681 = arith.constant true
      %reduce_sum3A_682 = vector.broadcast %reduce_sum3A_681 : i1 to vector<16xi1>
      %reduce_sum3A_683 = tpu.scan <sum>, %convert_element_type3A_680 masked %reduce_sum3A_682 : vector<16xi32>, vector<16xi1> -> vector<16xi32>
      %reduce_sum3A_684 = vector.extract %reduce_sum3A_683[15] : i32 from vector<16xi32>
      %add3A_685 = arith.addi %add3A_669, %reduce_sum3A_684 : i32
      %jit3A_686 = arith.constant 0 : i32
      %broadcast_in_dim3A_687 = vector.broadcast %jit3A_686 : i32 to vector<16xi32>
      %select_n3A_688 = arith.select %ge3A_679, %get3A_676, %broadcast_in_dim3A_687 : vector<16xi1>, vector<16xi32>
      %swap3A_689 = arith.constant 80 : index
      %swap3A_690 = tpu.vector_load %arg6[%swap3A_689] {strides = array<i32>} : memref<208xi32, #tpu.memory_space<vmem>>, vector<16xi32>,
      tpu.vector_store %arg6[%swap3A_689], %select_n3A_688 {strides = array<i32>} : memref<208xi32, #tpu.memory_space<vmem>>, vector<16xi32>,
      %get3A_691 = arith.constant 96 : index
      %get3A_692 = tpu.vector_load %arg6[%get3A_691] {strides = array<i32>} : memref<208xi32, #tpu.memory_space<vmem>>, vector<16xi32>,
      %ge3A_693 = arith.constant 0 : i32
      %ge3A_694 = vector.broadcast %ge3A_693 : i32 to vector<16xi32>
      %ge3A_695 = arith.cmpi sge, %get3A_692, %ge3A_694 : vector<16xi32>
      %convert_element_type3A_696 = arith.extui %ge3A_695 : vector<16xi1> to vector<16xi32>
      %reduce_sum3A_697 = arith.constant true
      %reduce_sum3A_698 = vector.broadcast %reduce_sum3A_697 : i1 to vector<16xi1>
      %reduce_sum3A_699 = tpu.scan <sum>, %convert_element_type3A_696 masked %reduce_sum3A_698 : vector<16xi32>, vector<16xi1> -> vector<16xi32>
      %reduce_sum3A_700 = vector.extract %reduce_sum3A_699[15] : i32 from vector<16xi32>
      %add3A_701 = arith.addi %add3A_685, %reduce_sum3A_700 : i32
      %jit3A_702 = arith.constant 0 : i32
      %broadcast_in_dim3A_703 = vector.broadcast %jit3A_702 : i32 to vector<16xi32>
      %select_n3A_704 = arith.select %ge3A_695, %get3A_692, %broadcast_in_dim3A_703 : vector<16xi1>, vector<16xi32>
      %swap3A_705 = arith.constant 96 : index
      %swap3A_706 = tpu.vector_load %arg6[%swap3A_705] {strides = array<i32>} : memref<208xi32, #tpu.memory_space<vmem>>, vector<16xi32>,
      tpu.vector_store %arg6[%swap3A_705], %select_n3A_704 {strides = array<i32>} : memref<208xi32, #tpu.memory_space<vmem>>, vector<16xi32>,
      %get3A_707 = arith.constant 112 : index
      %get3A_708 = tpu.vector_load %arg6[%get3A_707] {strides = array<i32>} : memref<208xi32, #tpu.memory_space<vmem>>, vector<16xi32>,
      %ge3A_709 = arith.constant 0 : i32
      %ge3A_710 = vector.broadcast %ge3A_709 : i32 to vector<16xi32>
      %ge3A_711 = arith.cmpi sge, %get3A_708, %ge3A_710 : vector<16xi32>
      %convert_element_type3A_712 = arith.extui %ge3A_711 : vector<16xi1> to vector<16xi32>
      %reduce_sum3A_713 = arith.constant true
      %reduce_sum3A_714 = vector.broadcast %reduce_sum3A_713 : i1 to vector<16xi1>
      %reduce_sum3A_715 = tpu.scan <sum>, %convert_element_type3A_712 masked %reduce_sum3A_714 : vector<16xi32>, vector<16xi1> -> vector<16xi32>
      %reduce_sum3A_716 = vector.extract %reduce_sum3A_715[15] : i32 from vector<16xi32>
      %add3A_717 = arith.addi %add3A_701, %reduce_sum3A_716 : i32
      %jit3A_718 = arith.constant 0 : i32
      %broadcast_in_dim3A_719 = vector.broadcast %jit3A_718 : i32 to vector<16xi32>
      %select_n3A_720 = arith.select %ge3A_711, %get3A_708, %broadcast_in_dim3A_719 : vector<16xi1>, vector<16xi32>
      %swap3A_721 = arith.constant 112 : index
      %swap3A_722 = tpu.vector_load %arg6[%swap3A_721] {strides = array<i32>} : memref<208xi32, #tpu.memory_space<vmem>>, vector<16xi32>,
      tpu.vector_store %arg6[%swap3A_721], %select_n3A_720 {strides = array<i32>} : memref<208xi32, #tpu.memory_space<vmem>>, vector<16xi32>,
      %get3A_723 = arith.constant 128 : index
      %get3A_724 = tpu.vector_load %arg6[%get3A_723] {strides = array<i32>} : memref<208xi32, #tpu.memory_space<vmem>>, vector<16xi32>,
      %ge3A_725 = arith.constant 0 : i32
      %ge3A_726 = vector.broadcast %ge3A_725 : i32 to vector<16xi32>
      %ge3A_727 = arith.cmpi sge, %get3A_724, %ge3A_726 : vector<16xi32>
      %convert_element_type3A_728 = arith.extui %ge3A_727 : vector<16xi1> to vector<16xi32>
      %reduce_sum3A_729 = arith.constant true
      %reduce_sum3A_730 = vector.broadcast %reduce_sum3A_729 : i1 to vector<16xi1>
      %reduce_sum3A_731 = tpu.scan <sum>, %convert_element_type3A_728 masked %reduce_sum3A_730 : vector<16xi32>, vector<16xi1> -> vector<16xi32>
      %reduce_sum3A_732 = vector.extract %reduce_sum3A_731[15] : i32 from vector<16xi32>
      %add3A_733 = arith.addi %add3A_717, %reduce_sum3A_732 : i32
      %jit3A_734 = arith.constant 0 : i32
      %broadcast_in_dim3A_735 = vector.broadcast %jit3A_734 : i32 to vector<16xi32>
      %select_n3A_736 = arith.select %ge3A_727, %get3A_724, %broadcast_in_dim3A_735 : vector<16xi1>, vector<16xi32>
      %swap3A_737 = arith.constant 128 : index
      %swap3A_738 = tpu.vector_load %arg6[%swap3A_737] {strides = array<i32>} : memref<208xi32, #tpu.memory_space<vmem>>, vector<16xi32>,
      tpu.vector_store %arg6[%swap3A_737], %select_n3A_736 {strides = array<i32>} : memref<208xi32, #tpu.memory_space<vmem>>, vector<16xi32>,
      %get3A_739 = arith.constant 144 : index
      %get3A_740 = tpu.vector_load %arg6[%get3A_739] {strides = array<i32>} : memref<208xi32, #tpu.memory_space<vmem>>, vector<16xi32>,
      %ge3A_741 = arith.constant 0 : i32
      %ge3A_742 = vector.broadcast %ge3A_741 : i32 to vector<16xi32>
      %ge3A_743 = arith.cmpi sge, %get3A_740, %ge3A_742 : vector<16xi32>
      %convert_element_type3A_744 = arith.extui %ge3A_743 : vector<16xi1> to vector<16xi32>
      %reduce_sum3A_745 = arith.constant true
      %reduce_sum3A_746 = vector.broadcast %reduce_sum3A_745 : i1 to vector<16xi1>
      %reduce_sum3A_747 = tpu.scan <sum>, %convert_element_type3A_744 masked %reduce_sum3A_746 : vector<16xi32>, vector<16xi1> -> vector<16xi32>
      %reduce_sum3A_748 = vector.extract %reduce_sum3A_747[15] : i32 from vector<16xi32>
      %add3A_749 = arith.addi %add3A_733, %reduce_sum3A_748 : i32
      %jit3A_750 = arith.constant 0 : i32
      %broadcast_in_dim3A_751 = vector.broadcast %jit3A_750 : i32 to vector<16xi32>
      %select_n3A_752 = arith.select %ge3A_743, %get3A_740, %broadcast_in_dim3A_751 : vector<16xi1>, vector<16xi32>
      %swap3A_753 = arith.constant 144 : index
      %swap3A_754 = tpu.vector_load %arg6[%swap3A_753] {strides = array<i32>} : memref<208xi32, #tpu.memory_space<vmem>>, vector<16xi32>,
      tpu.vector_store %arg6[%swap3A_753], %select_n3A_752 {strides = array<i32>} : memref<208xi32, #tpu.memory_space<vmem>>, vector<16xi32>,
      %get3A_755 = arith.constant 160 : index
      %get3A_756 = tpu.vector_load %arg6[%get3A_755] {strides = array<i32>} : memref<208xi32, #tpu.memory_space<vmem>>, vector<16xi32>,
      %ge3A_757 = arith.constant 0 : i32
      %ge3A_758 = vector.broadcast %ge3A_757 : i32 to vector<16xi32>
      %ge3A_759 = arith.cmpi sge, %get3A_756, %ge3A_758 : vector<16xi32>
      %convert_element_type3A_760 = arith.extui %ge3A_759 : vector<16xi1> to vector<16xi32>
      %reduce_sum3A_761 = arith.constant true
      %reduce_sum3A_762 = vector.broadcast %reduce_sum3A_761 : i1 to vector<16xi1>
      %reduce_sum3A_763 = tpu.scan <sum>, %convert_element_type3A_760 masked %reduce_sum3A_762 : vector<16xi32>, vector<16xi1> -> vector<16xi32>
      %reduce_sum3A_764 = vector.extract %reduce_sum3A_763[15] : i32 from vector<16xi32>
      %add3A_765 = arith.addi %add3A_749, %reduce_sum3A_764 : i32
      %jit3A_766 = arith.constant 0 : i32
      %broadcast_in_dim3A_767 = vector.broadcast %jit3A_766 : i32 to vector<16xi32>
      %select_n3A_768 = arith.select %ge3A_759, %get3A_756, %broadcast_in_dim3A_767 : vector<16xi1>, vector<16xi32>
      %swap3A_769 = arith.constant 160 : index
      %swap3A_770 = tpu.vector_load %arg6[%swap3A_769] {strides = array<i32>} : memref<208xi32, #tpu.memory_space<vmem>>, vector<16xi32>,
      tpu.vector_store %arg6[%swap3A_769], %select_n3A_768 {strides = array<i32>} : memref<208xi32, #tpu.memory_space<vmem>>, vector<16xi32>,
      %get3A_771 = arith.constant 176 : index
      %get3A_772 = tpu.vector_load %arg6[%get3A_771] {strides = array<i32>} : memref<208xi32, #tpu.memory_space<vmem>>, vector<16xi32>,
      %ge3A_773 = arith.constant 0 : i32
      %ge3A_774 = vector.broadcast %ge3A_773 : i32 to vector<16xi32>
      %ge3A_775 = arith.cmpi sge, %get3A_772, %ge3A_774 : vector<16xi32>
      %convert_element_type3A_776 = arith.extui %ge3A_775 : vector<16xi1> to vector<16xi32>
      %reduce_sum3A_777 = arith.constant true
      %reduce_sum3A_778 = vector.broadcast %reduce_sum3A_777 : i1 to vector<16xi1>
      %reduce_sum3A_779 = tpu.scan <sum>, %convert_element_type3A_776 masked %reduce_sum3A_778 : vector<16xi32>, vector<16xi1> -> vector<16xi32>
      %reduce_sum3A_780 = vector.extract %reduce_sum3A_779[15] : i32 from vector<16xi32>
      %add3A_781 = arith.addi %add3A_765, %reduce_sum3A_780 : i32
      %jit3A_782 = arith.constant 0 : i32
      %broadcast_in_dim3A_783 = vector.broadcast %jit3A_782 : i32 to vector<16xi32>
      %select_n3A_784 = arith.select %ge3A_775, %get3A_772, %broadcast_in_dim3A_783 : vector<16xi1>, vector<16xi32>
      %swap3A_785 = arith.constant 176 : index
      %swap3A_786 = tpu.vector_load %arg6[%swap3A_785] {strides = array<i32>} : memref<208xi32, #tpu.memory_space<vmem>>, vector<16xi32>,
      tpu.vector_store %arg6[%swap3A_785], %select_n3A_784 {strides = array<i32>} : memref<208xi32, #tpu.memory_space<vmem>>, vector<16xi32>,
      %get3A_787 = arith.constant 192 : index
      %get3A_788 = tpu.vector_load %arg6[%get3A_787] {strides = array<i32>} : memref<208xi32, #tpu.memory_space<vmem>>, vector<16xi32>,
      %ge3A_789 = arith.constant 0 : i32
      %ge3A_790 = vector.broadcast %ge3A_789 : i32 to vector<16xi32>
      %ge3A_791 = arith.cmpi sge, %get3A_788, %ge3A_790 : vector<16xi32>
      %lt3A_792 = arith.constant 8 : i32
      %lt3A_793 = vector.broadcast %lt3A_792 : i32 to vector<16xi32>
      %lt3A_794 = arith.cmpi slt, %iota3A, %lt3A_793 : vector<16xi32>
      %and3A_795 = arith.andi %ge3A_791, %lt3A_794 : vector<16xi1>
      %convert_element_type3A_796 = arith.extui %and3A_795 : vector<16xi1> to vector<16xi32>
      %reduce_sum3A_797 = arith.constant true
      %reduce_sum3A_798 = vector.broadcast %reduce_sum3A_797 : i1 to vector<16xi1>
      %reduce_sum3A_799 = tpu.scan <sum>, %convert_element_type3A_796 masked %reduce_sum3A_798 : vector<16xi32>, vector<16xi1> -> vector<16xi32>
      %reduce_sum3A_800 = vector.extract %reduce_sum3A_799[15] : i32 from vector<16xi32>
      %add3A_801 = arith.addi %add3A_781, %reduce_sum3A_800 : i32
      %jit3A_802 = arith.constant 0 : i32
      %broadcast_in_dim3A_803 = vector.broadcast %jit3A_802 : i32 to vector<16xi32>
      %select_n3A_804 = arith.select %and3A_795, %get3A_788, %broadcast_in_dim3A_803 : vector<16xi1>, vector<16xi32>
      %swap3A_805 = arith.constant 192 : index
      %swap3A_806 = tpu.vector_load %arg6[%swap3A_805] {strides = array<i32>} : memref<208xi32, #tpu.memory_space<vmem>>, vector<16xi32>,
      tpu.vector_store %arg6[%swap3A_805], %select_n3A_804 {strides = array<i32>} : memref<208xi32, #tpu.memory_space<vmem>>, vector<16xi32>,
      %dma_start3A_807 = arith.constant 0 : i32
      %dma_start3A_808 = arith.constant 0 : i32
      %dma_start3A_809 = tpu.memref_slice %arg7[%dma_start3A_807, %dma_start3A_808] : memref<208x128xf32, #tpu.memory_space<vmem>> -> memref<16x128xf32, #tpu.memory_space<vmem>>
      %dma_start3A_810 = arith.constant 0 : i32
      %dma_start3A_811 = arith.constant 0 : i32
      %dma_start3A_812 = tpu.memref_slice %arg4[%dma_start3A_810, %dma_start3A_811] : memref<100000x128xf32, #tpu.memory_space<hbm>> -> memref<16x128xf32, #tpu.memory_space<hbm>>
      %dma_start3A_813 = arith.constant 0 : i32
      %dma_start3A_814 = arith.constant 0 : i32
      %dma_start3A_815 = tpu.memref_slice %arg7[%dma_start3A_813, %dma_start3A_814] : memref<208x128xf32, #tpu.memory_space<vmem>> -> memref<16x128xf32, #tpu.memory_space<vmem>>
      %dma_start3A_816 = arith.constant 0 : i32
      %dma_start3A_817 = arith.constant 0 : i32
      %dma_start3A_818 = tpu.memref_slice %arg4[%dma_start3A_816, %dma_start3A_817] : memref<100000x128xf32, #tpu.memory_space<hbm>> -> memref<16x128xf32, #tpu.memory_space<hbm>>
      tpu.enqueue_dma source(%dma_start3A_818 : memref<16x128xf32, #tpu.memory_space<hbm>>) target(%dma_start3A_815 : memref<16x128xf32, #tpu.memory_space<vmem>>) target_semaphore(%arg10 : memref<!tpu.dma_semaphore, #tpu.memory_space<semaphore_mem>>)
      %dma_start3A_819 = arith.constant 16 : i32
      %dma_start3A_820 = arith.constant 0 : i32
      %dma_start3A_821 = tpu.memref_slice %arg7[%dma_start3A_819, %dma_start3A_820] : memref<208x128xf32, #tpu.memory_space<vmem>> -> memref<16x128xf32, #tpu.memory_space<vmem>>
      %dma_start3A_822 = arith.constant 16 : i32
      %dma_start3A_823 = arith.constant 0 : i32
      %dma_start3A_824 = tpu.memref_slice %arg4[%dma_start3A_822, %dma_start3A_823] : memref<100000x128xf32, #tpu.memory_space<hbm>> -> memref<16x128xf32, #tpu.memory_space<hbm>>
      %dma_start3A_825 = arith.constant 16 : i32
      %dma_start3A_826 = arith.constant 0 : i32
      %dma_start3A_827 = tpu.memref_slice %arg7[%dma_start3A_825, %dma_start3A_826] : memref<208x128xf32, #tpu.memory_space<vmem>> -> memref<16x128xf32, #tpu.memory_space<vmem>>
      %dma_start3A_828 = arith.constant 16 : i32
      %dma_start3A_829 = arith.constant 0 : i32
      %dma_start3A_830 = tpu.memref_slice %arg4[%dma_start3A_828, %dma_start3A_829] : memref<100000x128xf32, #tpu.memory_space<hbm>> -> memref<16x128xf32, #tpu.memory_space<hbm>>
      tpu.enqueue_dma source(%dma_start3A_830 : memref<16x128xf32, #tpu.memory_space<hbm>>) target(%dma_start3A_827 : memref<16x128xf32, #tpu.memory_space<vmem>>) target_semaphore(%arg10 : memref<!tpu.dma_semaphore, #tpu.memory_space<semaphore_mem>>)
      %dma_start3A_831 = arith.constant 32 : i32
      %dma_start3A_832 = arith.constant 0 : i32
      %dma_start3A_833 = tpu.memref_slice %arg7[%dma_start3A_831, %dma_start3A_832] : memref<208x128xf32, #tpu.memory_space<vmem>> -> memref<16x128xf32, #tpu.memory_space<vmem>>
      %dma_start3A_834 = arith.constant 32 : i32
      %dma_start3A_835 = arith.constant 0 : i32
      %dma_start3A_836 = tpu.memref_slice %arg4[%dma_start3A_834, %dma_start3A_835] : memref<100000x128xf32, #tpu.memory_space<hbm>> -> memref<16x128xf32, #tpu.memory_space<hbm>>
      %dma_start3A_837 = arith.constant 32 : i32
      %dma_start3A_838 = arith.constant 0 : i32
      %dma_start3A_839 = tpu.memref_slice %arg7[%dma_start3A_837, %dma_start3A_838] : memref<208x128xf32, #tpu.memory_space<vmem>> -> memref<16x128xf32, #tpu.memory_space<vmem>>
      %dma_start3A_840 = arith.constant 32 : i32
      %dma_start3A_841 = arith.constant 0 : i32
      %dma_start3A_842 = tpu.memref_slice %arg4[%dma_start3A_840, %dma_start3A_841] : memref<100000x128xf32, #tpu.memory_space<hbm>> -> memref<16x128xf32, #tpu.memory_space<hbm>>
      tpu.enqueue_dma source(%dma_start3A_842 : memref<16x128xf32, #tpu.memory_space<hbm>>) target(%dma_start3A_839 : memref<16x128xf32, #tpu.memory_space<vmem>>) target_semaphore(%arg10 : memref<!tpu.dma_semaphore, #tpu.memory_space<semaphore_mem>>)
      %dma_start3A_843 = arith.constant 48 : i32
      %dma_start3A_844 = arith.constant 0 : i32
      %dma_start3A_845 = tpu.memref_slice %arg7[%dma_start3A_843, %dma_start3A_844] : memref<208x128xf32, #tpu.memory_space<vmem>> -> memref<16x128xf32, #tpu.memory_space<vmem>>
      %dma_start3A_846 = arith.constant 48 : i32
      %dma_start3A_847 = arith.constant 0 : i32
      %dma_start3A_848 = tpu.memref_slice %arg4[%dma_start3A_846, %dma_start3A_847] : memref<100000x128xf32, #tpu.memory_space<hbm>> -> memref<16x128xf32, #tpu.memory_space<hbm>>
      %dma_start3A_849 = arith.constant 48 : i32
      %dma_start3A_850 = arith.constant 0 : i32
      %dma_start3A_851 = tpu.memref_slice %arg7[%dma_start3A_849, %dma_start3A_850] : memref<208x128xf32, #tpu.memory_space<vmem>> -> memref<16x128xf32, #tpu.memory_space<vmem>>
      %dma_start3A_852 = arith.constant 48 : i32
      %dma_start3A_853 = arith.constant 0 : i32
      %dma_start3A_854 = tpu.memref_slice %arg4[%dma_start3A_852, %dma_start3A_853] : memref<100000x128xf32, #tpu.memory_space<hbm>> -> memref<16x128xf32, #tpu.memory_space<hbm>>
      tpu.enqueue_dma source(%dma_start3A_854 : memref<16x128xf32, #tpu.memory_space<hbm>>) target(%dma_start3A_851 : memref<16x128xf32, #tpu.memory_space<vmem>>) target_semaphore(%arg10 : memref<!tpu.dma_semaphore, #tpu.memory_space<semaphore_mem>>)
      %dma_start3A_855 = arith.constant 64 : i32
      %dma_start3A_856 = arith.constant 0 : i32
      %dma_start3A_857 = tpu.memref_slice %arg7[%dma_start3A_855, %dma_start3A_856] : memref<208x128xf32, #tpu.memory_space<vmem>> -> memref<16x128xf32, #tpu.memory_space<vmem>>
      %dma_start3A_858 = arith.constant 64 : i32
      %dma_start3A_859 = arith.constant 0 : i32
      %dma_start3A_860 = tpu.memref_slice %arg4[%dma_start3A_858, %dma_start3A_859] : memref<100000x128xf32, #tpu.memory_space<hbm>> -> memref<16x128xf32, #tpu.memory_space<hbm>>
      %dma_start3A_861 = arith.constant 64 : i32
      %dma_start3A_862 = arith.constant 0 : i32
      %dma_start3A_863 = tpu.memref_slice %arg7[%dma_start3A_861, %dma_start3A_862] : memref<208x128xf32, #tpu.memory_space<vmem>> -> memref<16x128xf32, #tpu.memory_space<vmem>>
      %dma_start3A_864 = arith.constant 64 : i32
      %dma_start3A_865 = arith.constant 0 : i32
      %dma_start3A_866 = tpu.memref_slice %arg4[%dma_start3A_864, %dma_start3A_865] : memref<100000x128xf32, #tpu.memory_space<hbm>> -> memref<16x128xf32, #tpu.memory_space<hbm>>
      tpu.enqueue_dma source(%dma_start3A_866 : memref<16x128xf32, #tpu.memory_space<hbm>>) target(%dma_start3A_863 : memref<16x128xf32, #tpu.memory_space<vmem>>) target_semaphore(%arg10 : memref<!tpu.dma_semaphore, #tpu.memory_space<semaphore_mem>>)
      %dma_start3A_867 = arith.constant 80 : i32
      %dma_start3A_868 = arith.constant 0 : i32
      %dma_start3A_869 = tpu.memref_slice %arg7[%dma_start3A_867, %dma_start3A_868] : memref<208x128xf32, #tpu.memory_space<vmem>> -> memref<16x128xf32, #tpu.memory_space<vmem>>
      %dma_start3A_870 = arith.constant 80 : i32
      %dma_start3A_871 = arith.constant 0 : i32
      %dma_start3A_872 = tpu.memref_slice %arg4[%dma_start3A_870, %dma_start3A_871] : memref<100000x128xf32, #tpu.memory_space<hbm>> -> memref<16x128xf32, #tpu.memory_space<hbm>>
      %dma_start3A_873 = arith.constant 80 : i32
      %dma_start3A_874 = arith.constant 0 : i32
      %dma_start3A_875 = tpu.memref_slice %arg7[%dma_start3A_873, %dma_start3A_874] : memref<208x128xf32, #tpu.memory_space<vmem>> -> memref<16x128xf32, #tpu.memory_space<vmem>>
      %dma_start3A_876 = arith.constant 80 : i32
      %dma_start3A_877 = arith.constant 0 : i32
      %dma_start3A_878 = tpu.memref_slice %arg4[%dma_start3A_876, %dma_start3A_877] : memref<100000x128xf32, #tpu.memory_space<hbm>> -> memref<16x128xf32, #tpu.memory_space<hbm>>
      tpu.enqueue_dma source(%dma_start3A_878 : memref<16x128xf32, #tpu.memory_space<hbm>>) target(%dma_start3A_875 : memref<16x128xf32, #tpu.memory_space<vmem>>) target_semaphore(%arg10 : memref<!tpu.dma_semaphore, #tpu.memory_space<semaphore_mem>>)
      %dma_start3A_879 = arith.constant 96 : i32
      %dma_start3A_880 = arith.constant 0 : i32
      %dma_start3A_881 = tpu.memref_slice %arg7[%dma_start3A_879, %dma_start3A_880] : memref<208x128xf32, #tpu.memory_space<vmem>> -> memref<16x128xf32, #tpu.memory_space<vmem>>
      %dma_start3A_882 = arith.constant 96 : i32
      %dma_start3A_883 = arith.constant 0 : i32
      %dma_start3A_884 = tpu.memref_slice %arg4[%dma_start3A_882, %dma_start3A_883] : memref<100000x128xf32, #tpu.memory_space<hbm>> -> memref<16x128xf32, #tpu.memory_space<hbm>>
      %dma_start3A_885 = arith.constant 96 : i32
      %dma_start3A_886 = arith.constant 0 : i32
      %dma_start3A_887 = tpu.memref_slice %arg7[%dma_start3A_885, %dma_start3A_886] : memref<208x128xf32, #tpu.memory_space<vmem>> -> memref<16x128xf32, #tpu.memory_space<vmem>>
      %dma_start3A_888 = arith.constant 96 : i32
      %dma_start3A_889 = arith.constant 0 : i32
      %dma_start3A_890 = tpu.memref_slice %arg4[%dma_start3A_888, %dma_start3A_889] : memref<100000x128xf32, #tpu.memory_space<hbm>> -> memref<16x128xf32, #tpu.memory_space<hbm>>
      tpu.enqueue_dma source(%dma_start3A_890 : memref<16x128xf32, #tpu.memory_space<hbm>>) target(%dma_start3A_887 : memref<16x128xf32, #tpu.memory_space<vmem>>) target_semaphore(%arg10 : memref<!tpu.dma_semaphore, #tpu.memory_space<semaphore_mem>>)
      %dma_start3A_891 = arith.constant 112 : i32
      %dma_start3A_892 = arith.constant 0 : i32
      %dma_start3A_893 = tpu.memref_slice %arg7[%dma_start3A_891, %dma_start3A_892] : memref<208x128xf32, #tpu.memory_space<vmem>> -> memref<16x128xf32, #tpu.memory_space<vmem>>
      %dma_start3A_894 = arith.constant 112 : i32
      %dma_start3A_895 = arith.constant 0 : i32
      %dma_start3A_896 = tpu.memref_slice %arg4[%dma_start3A_894, %dma_start3A_895] : memref<100000x128xf32, #tpu.memory_space<hbm>> -> memref<16x128xf32, #tpu.memory_space<hbm>>
      %dma_start3A_897 = arith.constant 112 : i32
      %dma_start3A_898 = arith.constant 0 : i32
      %dma_start3A_899 = tpu.memref_slice %arg7[%dma_start3A_897, %dma_start3A_898] : memref<208x128xf32, #tpu.memory_space<vmem>> -> memref<16x128xf32, #tpu.memory_space<vmem>>
      %dma_start3A_900 = arith.constant 112 : i32
      %dma_start3A_901 = arith.constant 0 : i32
      %dma_start3A_902 = tpu.memref_slice %arg4[%dma_start3A_900, %dma_start3A_901] : memref<100000x128xf32, #tpu.memory_space<hbm>> -> memref<16x128xf32, #tpu.memory_space<hbm>>
      tpu.enqueue_dma source(%dma_start3A_902 : memref<16x128xf32, #tpu.memory_space<hbm>>) target(%dma_start3A_899 : memref<16x128xf32, #tpu.memory_space<vmem>>) target_semaphore(%arg10 : memref<!tpu.dma_semaphore, #tpu.memory_space<semaphore_mem>>)
      %dma_start3A_903 = arith.constant 128 : i32
      %dma_start3A_904 = arith.constant 0 : i32
      %dma_start3A_905 = tpu.memref_slice %arg7[%dma_start3A_903, %dma_start3A_904] : memref<208x128xf32, #tpu.memory_space<vmem>> -> memref<16x128xf32, #tpu.memory_space<vmem>>
      %dma_start3A_906 = arith.constant 128 : i32
      %dma_start3A_907 = arith.constant 0 : i32
      %dma_start3A_908 = tpu.memref_slice %arg4[%dma_start3A_906, %dma_start3A_907] : memref<100000x128xf32, #tpu.memory_space<hbm>> -> memref<16x128xf32, #tpu.memory_space<hbm>>
      %dma_start3A_909 = arith.constant 128 : i32
      %dma_start3A_910 = arith.constant 0 : i32
      %dma_start3A_911 = tpu.memref_slice %arg7[%dma_start3A_909, %dma_start3A_910] : memref<208x128xf32, #tpu.memory_space<vmem>> -> memref<16x128xf32, #tpu.memory_space<vmem>>
      %dma_start3A_912 = arith.constant 128 : i32
      %dma_start3A_913 = arith.constant 0 : i32
      %dma_start3A_914 = tpu.memref_slice %arg4[%dma_start3A_912, %dma_start3A_913] : memref<100000x128xf32, #tpu.memory_space<hbm>> -> memref<16x128xf32, #tpu.memory_space<hbm>>
      tpu.enqueue_dma source(%dma_start3A_914 : memref<16x128xf32, #tpu.memory_space<hbm>>) target(%dma_start3A_911 : memref<16x128xf32, #tpu.memory_space<vmem>>) target_semaphore(%arg10 : memref<!tpu.dma_semaphore, #tpu.memory_space<semaphore_mem>>)
      %dma_start3A_915 = arith.constant 144 : i32
      %dma_start3A_916 = arith.constant 0 : i32
      %dma_start3A_917 = tpu.memref_slice %arg7[%dma_start3A_915, %dma_start3A_916] : memref<208x128xf32, #tpu.memory_space<vmem>> -> memref<16x128xf32, #tpu.memory_space<vmem>>
      %dma_start3A_918 = arith.constant 144 : i32
      %dma_start3A_919 = arith.constant 0 : i32
      %dma_start3A_920 = tpu.memref_slice %arg4[%dma_start3A_918, %dma_start3A_919] : memref<100000x128xf32, #tpu.memory_space<hbm>> -> memref<16x128xf32, #tpu.memory_space<hbm>>
      %dma_start3A_921 = arith.constant 144 : i32
      %dma_start3A_922 = arith.constant 0 : i32
      %dma_start3A_923 = tpu.memref_slice %arg7[%dma_start3A_921, %dma_start3A_922] : memref<208x128xf32, #tpu.memory_space<vmem>> -> memref<16x128xf32, #tpu.memory_space<vmem>>
      %dma_start3A_924 = arith.constant 144 : i32
      %dma_start3A_925 = arith.constant 0 : i32
      %dma_start3A_926 = tpu.memref_slice %arg4[%dma_start3A_924, %dma_start3A_925] : memref<100000x128xf32, #tpu.memory_space<hbm>> -> memref<16x128xf32, #tpu.memory_space<hbm>>
      tpu.enqueue_dma source(%dma_start3A_926 : memref<16x128xf32, #tpu.memory_space<hbm>>) target(%dma_start3A_923 : memref<16x128xf32, #tpu.memory_space<vmem>>) target_semaphore(%arg10 : memref<!tpu.dma_semaphore, #tpu.memory_space<semaphore_mem>>)
      %dma_start3A_927 = arith.constant 160 : i32
      %dma_start3A_928 = arith.constant 0 : i32
      %dma_start3A_929 = tpu.memref_slice %arg7[%dma_start3A_927, %dma_start3A_928] : memref<208x128xf32, #tpu.memory_space<vmem>> -> memref<16x128xf32, #tpu.memory_space<vmem>>
      %dma_start3A_930 = arith.constant 160 : i32
      %dma_start3A_931 = arith.constant 0 : i32
      %dma_start3A_932 = tpu.memref_slice %arg4[%dma_start3A_930, %dma_start3A_931] : memref<100000x128xf32, #tpu.memory_space<hbm>> -> memref<16x128xf32, #tpu.memory_space<hbm>>
      %dma_start3A_933 = arith.constant 160 : i32
      %dma_start3A_934 = arith.constant 0 : i32
      %dma_start3A_935 = tpu.memref_slice %arg7[%dma_start3A_933, %dma_start3A_934] : memref<208x128xf32, #tpu.memory_space<vmem>> -> memref<16x128xf32, #tpu.memory_space<vmem>>
      %dma_start3A_936 = arith.constant 160 : i32
      %dma_start3A_937 = arith.constant 0 : i32
      %dma_start3A_938 = tpu.memref_slice %arg4[%dma_start3A_936, %dma_start3A_937] : memref<100000x128xf32, #tpu.memory_space<hbm>> -> memref<16x128xf32, #tpu.memory_space<hbm>>
      tpu.enqueue_dma source(%dma_start3A_938 : memref<16x128xf32, #tpu.memory_space<hbm>>) target(%dma_start3A_935 : memref<16x128xf32, #tpu.memory_space<vmem>>) target_semaphore(%arg10 : memref<!tpu.dma_semaphore, #tpu.memory_space<semaphore_mem>>)
      %dma_start3A_939 = arith.constant 176 : i32
      %dma_start3A_940 = arith.constant 0 : i32
      %dma_start3A_941 = tpu.memref_slice %arg7[%dma_start3A_939, %dma_start3A_940] : memref<208x128xf32, #tpu.memory_space<vmem>> -> memref<16x128xf32, #tpu.memory_space<vmem>>
      %dma_start3A_942 = arith.constant 176 : i32
      %dma_start3A_943 = arith.constant 0 : i32
      %dma_start3A_944 = tpu.memref_slice %arg4[%dma_start3A_942, %dma_start3A_943] : memref<100000x128xf32, #tpu.memory_space<hbm>> -> memref<16x128xf32, #tpu.memory_space<hbm>>
      %dma_start3A_945 = arith.constant 176 : i32
      %dma_start3A_946 = arith.constant 0 : i32
      %dma_start3A_947 = tpu.memref_slice %arg7[%dma_start3A_945, %dma_start3A_946] : memref<208x128xf32, #tpu.memory_space<vmem>> -> memref<16x128xf32, #tpu.memory_space<vmem>>
      %dma_start3A_948 = arith.constant 176 : i32
      %dma_start3A_949 = arith.constant 0 : i32
      %dma_start3A_950 = tpu.memref_slice %arg4[%dma_start3A_948, %dma_start3A_949] : memref<100000x128xf32, #tpu.memory_space<hbm>> -> memref<16x128xf32, #tpu.memory_space<hbm>>
      tpu.enqueue_dma source(%dma_start3A_950 : memref<16x128xf32, #tpu.memory_space<hbm>>) target(%dma_start3A_947 : memref<16x128xf32, #tpu.memory_space<vmem>>) target_semaphore(%arg10 : memref<!tpu.dma_semaphore, #tpu.memory_space<semaphore_mem>>)
      %dma_start3A_951 = arith.constant 192 : i32
      %dma_start3A_952 = arith.constant 0 : i32
      %dma_start3A_953 = tpu.memref_slice %arg7[%dma_start3A_951, %dma_start3A_952] : memref<208x128xf32, #tpu.memory_space<vmem>> -> memref<16x128xf32, #tpu.memory_space<vmem>>
      %dma_start3A_954 = arith.constant 192 : i32
      %dma_start3A_955 = arith.constant 0 : i32
      %dma_start3A_956 = tpu.memref_slice %arg4[%dma_start3A_954, %dma_start3A_955] : memref<100000x128xf32, #tpu.memory_space<hbm>> -> memref<16x128xf32, #tpu.memory_space<hbm>>
      %dma_start3A_957 = arith.constant 192 : i32
      %dma_start3A_958 = arith.constant 0 : i32
      %dma_start3A_959 = tpu.memref_slice %arg7[%dma_start3A_957, %dma_start3A_958] : memref<208x128xf32, #tpu.memory_space<vmem>> -> memref<16x128xf32, #tpu.memory_space<vmem>>
      %dma_start3A_960 = arith.constant 192 : i32
      %dma_start3A_961 = arith.constant 0 : i32
      %dma_start3A_962 = tpu.memref_slice %arg4[%dma_start3A_960, %dma_start3A_961] : memref<100000x128xf32, #tpu.memory_space<hbm>> -> memref<16x128xf32, #tpu.memory_space<hbm>>
      tpu.enqueue_dma source(%dma_start3A_962 : memref<16x128xf32, #tpu.memory_space<hbm>>) target(%dma_start3A_959 : memref<16x128xf32, #tpu.memory_space<vmem>>) target_semaphore(%arg10 : memref<!tpu.dma_semaphore, #tpu.memory_space<semaphore_mem>>)
      %dma_wait3A_963 = arith.constant 0 : i32
      %dma_wait3A_964 = arith.constant 0 : i32
      %dma_wait3A_965 = tpu.memref_slice %arg7[%dma_wait3A_963, %dma_wait3A_964] : memref<208x128xf32, #tpu.memory_space<vmem>> -> memref<16x128xf32, #tpu.memory_space<vmem>>
      %dma_wait3A_966 = arith.constant 0 : i32
      %dma_wait3A_967 = arith.constant 0 : i32
      %dma_wait3A_968 = tpu.memref_slice %arg4[%dma_wait3A_966, %dma_wait3A_967] : memref<100000x128xf32, #tpu.memory_space<hbm>> -> memref<16x128xf32, #tpu.memory_space<hbm>>
      %dma_wait3A_969 = arith.constant 0 : i32
      %dma_wait3A_970 = arith.constant 0 : i32
      %dma_wait3A_971 = tpu.memref_slice %arg7[%dma_wait3A_969, %dma_wait3A_970] : memref<208x128xf32, #tpu.memory_space<vmem>> -> memref<16x128xf32, #tpu.memory_space<vmem>>
      %dma_wait3A_972 = arith.constant 0 : i32
      %dma_wait3A_973 = arith.constant 0 : i32
      %dma_wait3A_974 = tpu.memref_slice %arg4[%dma_wait3A_972, %dma_wait3A_973] : memref<100000x128xf32, #tpu.memory_space<hbm>> -> memref<16x128xf32, #tpu.memory_space<hbm>>
      tpu.wait_dma2 semaphore(%arg10 : memref<!tpu.dma_semaphore, #tpu.memory_space<semaphore_mem>>) src(%dma_wait3A_974 : memref<16x128xf32, #tpu.memory_space<hbm>>) dst(%dma_wait3A_971 : memref<16x128xf32, #tpu.memory_space<vmem>>)
      %dma_wait3A_975 = arith.constant 16 : i32
      %dma_wait3A_976 = arith.constant 0 : i32
      %dma_wait3A_977 = tpu.memref_slice %arg7[%dma_wait3A_975, %dma_wait3A_976] : memref<208x128xf32, #tpu.memory_space<vmem>> -> memref<16x128xf32, #tpu.memory_space<vmem>>
      %dma_wait3A_978 = arith.constant 16 : i32
      %dma_wait3A_979 = arith.constant 0 : i32
      %dma_wait3A_980 = tpu.memref_slice %arg4[%dma_wait3A_978, %dma_wait3A_979] : memref<100000x128xf32, #tpu.memory_space<hbm>> -> memref<16x128xf32, #tpu.memory_space<hbm>>
      %dma_wait3A_981 = arith.constant 16 : i32
      %dma_wait3A_982 = arith.constant 0 : i32
      %dma_wait3A_983 = tpu.memref_slice %arg7[%dma_wait3A_981, %dma_wait3A_982] : memref<208x128xf32, #tpu.memory_space<vmem>> -> memref<16x128xf32, #tpu.memory_space<vmem>>
      %dma_wait3A_984 = arith.constant 16 : i32
      %dma_wait3A_985 = arith.constant 0 : i32
      %dma_wait3A_986 = tpu.memref_slice %arg4[%dma_wait3A_984, %dma_wait3A_985] : memref<100000x128xf32, #tpu.memory_space<hbm>> -> memref<16x128xf32, #tpu.memory_space<hbm>>
      tpu.wait_dma2 semaphore(%arg10 : memref<!tpu.dma_semaphore, #tpu.memory_space<semaphore_mem>>) src(%dma_wait3A_986 : memref<16x128xf32, #tpu.memory_space<hbm>>) dst(%dma_wait3A_983 : memref<16x128xf32, #tpu.memory_space<vmem>>)
      %dma_wait3A_987 = arith.constant 32 : i32
      %dma_wait3A_988 = arith.constant 0 : i32
      %dma_wait3A_989 = tpu.memref_slice %arg7[%dma_wait3A_987, %dma_wait3A_988] : memref<208x128xf32, #tpu.memory_space<vmem>> -> memref<16x128xf32, #tpu.memory_space<vmem>>
      %dma_wait3A_990 = arith.constant 32 : i32
      %dma_wait3A_991 = arith.constant 0 : i32
      %dma_wait3A_992 = tpu.memref_slice %arg4[%dma_wait3A_990, %dma_wait3A_991] : memref<100000x128xf32, #tpu.memory_space<hbm>> -> memref<16x128xf32, #tpu.memory_space<hbm>>
      %dma_wait3A_993 = arith.constant 32 : i32
      %dma_wait3A_994 = arith.constant 0 : i32
      %dma_wait3A_995 = tpu.memref_slice %arg7[%dma_wait3A_993, %dma_wait3A_994] : memref<208x128xf32, #tpu.memory_space<vmem>> -> memref<16x128xf32, #tpu.memory_space<vmem>>
      %dma_wait3A_996 = arith.constant 32 : i32
      %dma_wait3A_997 = arith.constant 0 : i32
      %dma_wait3A_998 = tpu.memref_slice %arg4[%dma_wait3A_996, %dma_wait3A_997] : memref<100000x128xf32, #tpu.memory_space<hbm>> -> memref<16x128xf32, #tpu.memory_space<hbm>>
      tpu.wait_dma2 semaphore(%arg10 : memref<!tpu.dma_semaphore, #tpu.memory_space<semaphore_mem>>) src(%dma_wait3A_998 : memref<16x128xf32, #tpu.memory_space<hbm>>) dst(%dma_wait3A_995 : memref<16x128xf32, #tpu.memory_space<vmem>>)
      %dma_wait3A_999 = arith.constant 48 : i32
      %dma_wait3A_1000 = arith.constant 0 : i32
      %dma_wait3A_1001 = tpu.memref_slice %arg7[%dma_wait3A_999, %dma_wait3A_1000] : memref<208x128xf32, #tpu.memory_space<vmem>> -> memref<16x128xf32, #tpu.memory_space<vmem>>
      %dma_wait3A_1002 = arith.constant 48 : i32
      %dma_wait3A_1003 = arith.constant 0 : i32
      %dma_wait3A_1004 = tpu.memref_slice %arg4[%dma_wait3A_1002, %dma_wait3A_1003] : memref<100000x128xf32, #tpu.memory_space<hbm>> -> memref<16x128xf32, #tpu.memory_space<hbm>>
      %dma_wait3A_1005 = arith.constant 48 : i32
      %dma_wait3A_1006 = arith.constant 0 : i32
      %dma_wait3A_1007 = tpu.memref_slice %arg7[%dma_wait3A_1005, %dma_wait3A_1006] : memref<208x128xf32, #tpu.memory_space<vmem>> -> memref<16x128xf32, #tpu.memory_space<vmem>>
      %dma_wait3A_1008 = arith.constant 48 : i32
      %dma_wait3A_1009 = arith.constant 0 : i32
      %dma_wait3A_1010 = tpu.memref_slice %arg4[%dma_wait3A_1008, %dma_wait3A_1009] : memref<100000x128xf32, #tpu.memory_space<hbm>> -> memref<16x128xf32, #tpu.memory_space<hbm>>
      tpu.wait_dma2 semaphore(%arg10 : memref<!tpu.dma_semaphore, #tpu.memory_space<semaphore_mem>>) src(%dma_wait3A_1010 : memref<16x128xf32, #tpu.memory_space<hbm>>) dst(%dma_wait3A_1007 : memref<16x128xf32, #tpu.memory_space<vmem>>)
      %dma_wait3A_1011 = arith.constant 64 : i32
      %dma_wait3A_1012 = arith.constant 0 : i32
      %dma_wait3A_1013 = tpu.memref_slice %arg7[%dma_wait3A_1011, %dma_wait3A_1012] : memref<208x128xf32, #tpu.memory_space<vmem>> -> memref<16x128xf32, #tpu.memory_space<vmem>>
      %dma_wait3A_1014 = arith.constant 64 : i32
      %dma_wait3A_1015 = arith.constant 0 : i32
      %dma_wait3A_1016 = tpu.memref_slice %arg4[%dma_wait3A_1014, %dma_wait3A_1015] : memref<100000x128xf32, #tpu.memory_space<hbm>> -> memref<16x128xf32, #tpu.memory_space<hbm>>
      %dma_wait3A_1017 = arith.constant 64 : i32
      %dma_wait3A_1018 = arith.constant 0 : i32
      %dma_wait3A_1019 = tpu.memref_slice %arg7[%dma_wait3A_1017, %dma_wait3A_1018] : memref<208x128xf32, #tpu.memory_space<vmem>> -> memref<16x128xf32, #tpu.memory_space<vmem>>
      %dma_wait3A_1020 = arith.constant 64 : i32
      %dma_wait3A_1021 = arith.constant 0 : i32
      %dma_wait3A_1022 = tpu.memref_slice %arg4[%dma_wait3A_1020, %dma_wait3A_1021] : memref<100000x128xf32, #tpu.memory_space<hbm>> -> memref<16x128xf32, #tpu.memory_space<hbm>>
      tpu.wait_dma2 semaphore(%arg10 : memref<!tpu.dma_semaphore, #tpu.memory_space<semaphore_mem>>) src(%dma_wait3A_1022 : memref<16x128xf32, #tpu.memory_space<hbm>>) dst(%dma_wait3A_1019 : memref<16x128xf32, #tpu.memory_space<vmem>>)
      %dma_wait3A_1023 = arith.constant 80 : i32
      %dma_wait3A_1024 = arith.constant 0 : i32
      %dma_wait3A_1025 = tpu.memref_slice %arg7[%dma_wait3A_1023, %dma_wait3A_1024] : memref<208x128xf32, #tpu.memory_space<vmem>> -> memref<16x128xf32, #tpu.memory_space<vmem>>
      %dma_wait3A_1026 = arith.constant 80 : i32
      %dma_wait3A_1027 = arith.constant 0 : i32
      %dma_wait3A_1028 = tpu.memref_slice %arg4[%dma_wait3A_1026, %dma_wait3A_1027] : memref<100000x128xf32, #tpu.memory_space<hbm>> -> memref<16x128xf32, #tpu.memory_space<hbm>>
      %dma_wait3A_1029 = arith.constant 80 : i32
      %dma_wait3A_1030 = arith.constant 0 : i32
      %dma_wait3A_1031 = tpu.memref_slice %arg7[%dma_wait3A_1029, %dma_wait3A_1030] : memref<208x128xf32, #tpu.memory_space<vmem>> -> memref<16x128xf32, #tpu.memory_space<vmem>>
      %dma_wait3A_1032 = arith.constant 80 : i32
      %dma_wait3A_1033 = arith.constant 0 : i32
      %dma_wait3A_1034 = tpu.memref_slice %arg4[%dma_wait3A_1032, %dma_wait3A_1033] : memref<100000x128xf32, #tpu.memory_space<hbm>> -> memref<16x128xf32, #tpu.memory_space<hbm>>
      tpu.wait_dma2 semaphore(%arg10 : memref<!tpu.dma_semaphore, #tpu.memory_space<semaphore_mem>>) src(%dma_wait3A_1034 : memref<16x128xf32, #tpu.memory_space<hbm>>) dst(%dma_wait3A_1031 : memref<16x128xf32, #tpu.memory_space<vmem>>)
      %dma_wait3A_1035 = arith.constant 96 : i32
      %dma_wait3A_1036 = arith.constant 0 : i32
      %dma_wait3A_1037 = tpu.memref_slice %arg7[%dma_wait3A_1035, %dma_wait3A_1036] : memref<208x128xf32, #tpu.memory_space<vmem>> -> memref<16x128xf32, #tpu.memory_space<vmem>>
      %dma_wait3A_1038 = arith.constant 96 : i32
      %dma_wait3A_1039 = arith.constant 0 : i32
      %dma_wait3A_1040 = tpu.memref_slice %arg4[%dma_wait3A_1038, %dma_wait3A_1039] : memref<100000x128xf32, #tpu.memory_space<hbm>> -> memref<16x128xf32, #tpu.memory_space<hbm>>
      %dma_wait3A_1041 = arith.constant 96 : i32
      %dma_wait3A_1042 = arith.constant 0 : i32
      %dma_wait3A_1043 = tpu.memref_slice %arg7[%dma_wait3A_1041, %dma_wait3A_1042] : memref<208x128xf32, #tpu.memory_space<vmem>> -> memref<16x128xf32, #tpu.memory_space<vmem>>
      %dma_wait3A_1044 = arith.constant 96 : i32
      %dma_wait3A_1045 = arith.constant 0 : i32
      %dma_wait3A_1046 = tpu.memref_slice %arg4[%dma_wait3A_1044, %dma_wait3A_1045] : memref<100000x128xf32, #tpu.memory_space<hbm>> -> memref<16x128xf32, #tpu.memory_space<hbm>>
      tpu.wait_dma2 semaphore(%arg10 : memref<!tpu.dma_semaphore, #tpu.memory_space<semaphore_mem>>) src(%dma_wait3A_1046 : memref<16x128xf32, #tpu.memory_space<hbm>>) dst(%dma_wait3A_1043 : memref<16x128xf32, #tpu.memory_space<vmem>>)
      %dma_wait3A_1047 = arith.constant 112 : i32
      %dma_wait3A_1048 = arith.constant 0 : i32
      %dma_wait3A_1049 = tpu.memref_slice %arg7[%dma_wait3A_1047, %dma_wait3A_1048] : memref<208x128xf32, #tpu.memory_space<vmem>> -> memref<16x128xf32, #tpu.memory_space<vmem>>
      %dma_wait3A_1050 = arith.constant 112 : i32
      %dma_wait3A_1051 = arith.constant 0 : i32
      %dma_wait3A_1052 = tpu.memref_slice %arg4[%dma_wait3A_1050, %dma_wait3A_1051] : memref<100000x128xf32, #tpu.memory_space<hbm>> -> memref<16x128xf32, #tpu.memory_space<hbm>>
      %dma_wait3A_1053 = arith.constant 112 : i32
      %dma_wait3A_1054 = arith.constant 0 : i32
      %dma_wait3A_1055 = tpu.memref_slice %arg7[%dma_wait3A_1053, %dma_wait3A_1054] : memref<208x128xf32, #tpu.memory_space<vmem>> -> memref<16x128xf32, #tpu.memory_space<vmem>>
      %dma_wait3A_1056 = arith.constant 112 : i32
      %dma_wait3A_1057 = arith.constant 0 : i32
      %dma_wait3A_1058 = tpu.memref_slice %arg4[%dma_wait3A_1056, %dma_wait3A_1057] : memref<100000x128xf32, #tpu.memory_space<hbm>> -> memref<16x128xf32, #tpu.memory_space<hbm>>
      tpu.wait_dma2 semaphore(%arg10 : memref<!tpu.dma_semaphore, #tpu.memory_space<semaphore_mem>>) src(%dma_wait3A_1058 : memref<16x128xf32, #tpu.memory_space<hbm>>) dst(%dma_wait3A_1055 : memref<16x128xf32, #tpu.memory_space<vmem>>)
      %dma_wait3A_1059 = arith.constant 128 : i32
      %dma_wait3A_1060 = arith.constant 0 : i32
      %dma_wait3A_1061 = tpu.memref_slice %arg7[%dma_wait3A_1059, %dma_wait3A_1060] : memref<208x128xf32, #tpu.memory_space<vmem>> -> memref<16x128xf32, #tpu.memory_space<vmem>>
      %dma_wait3A_1062 = arith.constant 128 : i32
      %dma_wait3A_1063 = arith.constant 0 : i32
      %dma_wait3A_1064 = tpu.memref_slice %arg4[%dma_wait3A_1062, %dma_wait3A_1063] : memref<100000x128xf32, #tpu.memory_space<hbm>> -> memref<16x128xf32, #tpu.memory_space<hbm>>
      %dma_wait3A_1065 = arith.constant 128 : i32
      %dma_wait3A_1066 = arith.constant 0 : i32
      %dma_wait3A_1067 = tpu.memref_slice %arg7[%dma_wait3A_1065, %dma_wait3A_1066] : memref<208x128xf32, #tpu.memory_space<vmem>> -> memref<16x128xf32, #tpu.memory_space<vmem>>
      %dma_wait3A_1068 = arith.constant 128 : i32
      %dma_wait3A_1069 = arith.constant 0 : i32
      %dma_wait3A_1070 = tpu.memref_slice %arg4[%dma_wait3A_1068, %dma_wait3A_1069] : memref<100000x128xf32, #tpu.memory_space<hbm>> -> memref<16x128xf32, #tpu.memory_space<hbm>>
      tpu.wait_dma2 semaphore(%arg10 : memref<!tpu.dma_semaphore, #tpu.memory_space<semaphore_mem>>) src(%dma_wait3A_1070 : memref<16x128xf32, #tpu.memory_space<hbm>>) dst(%dma_wait3A_1067 : memref<16x128xf32, #tpu.memory_space<vmem>>)
      %dma_wait3A_1071 = arith.constant 144 : i32
      %dma_wait3A_1072 = arith.constant 0 : i32
      %dma_wait3A_1073 = tpu.memref_slice %arg7[%dma_wait3A_1071, %dma_wait3A_1072] : memref<208x128xf32, #tpu.memory_space<vmem>> -> memref<16x128xf32, #tpu.memory_space<vmem>>
      %dma_wait3A_1074 = arith.constant 144 : i32
      %dma_wait3A_1075 = arith.constant 0 : i32
      %dma_wait3A_1076 = tpu.memref_slice %arg4[%dma_wait3A_1074, %dma_wait3A_1075] : memref<100000x128xf32, #tpu.memory_space<hbm>> -> memref<16x128xf32, #tpu.memory_space<hbm>>
      %dma_wait3A_1077 = arith.constant 144 : i32
      %dma_wait3A_1078 = arith.constant 0 : i32
      %dma_wait3A_1079 = tpu.memref_slice %arg7[%dma_wait3A_1077, %dma_wait3A_1078] : memref<208x128xf32, #tpu.memory_space<vmem>> -> memref<16x128xf32, #tpu.memory_space<vmem>>
      %dma_wait3A_1080 = arith.constant 144 : i32
      %dma_wait3A_1081 = arith.constant 0 : i32
      %dma_wait3A_1082 = tpu.memref_slice %arg4[%dma_wait3A_1080, %dma_wait3A_1081] : memref<100000x128xf32, #tpu.memory_space<hbm>> -> memref<16x128xf32, #tpu.memory_space<hbm>>
      tpu.wait_dma2 semaphore(%arg10 : memref<!tpu.dma_semaphore, #tpu.memory_space<semaphore_mem>>) src(%dma_wait3A_1082 : memref<16x128xf32, #tpu.memory_space<hbm>>) dst(%dma_wait3A_1079 : memref<16x128xf32, #tpu.memory_space<vmem>>)
      %dma_wait3A_1083 = arith.constant 160 : i32
      %dma_wait3A_1084 = arith.constant 0 : i32
      %dma_wait3A_1085 = tpu.memref_slice %arg7[%dma_wait3A_1083, %dma_wait3A_1084] : memref<208x128xf32, #tpu.memory_space<vmem>> -> memref<16x128xf32, #tpu.memory_space<vmem>>
      %dma_wait3A_1086 = arith.constant 160 : i32
      %dma_wait3A_1087 = arith.constant 0 : i32
      %dma_wait3A_1088 = tpu.memref_slice %arg4[%dma_wait3A_1086, %dma_wait3A_1087] : memref<100000x128xf32, #tpu.memory_space<hbm>> -> memref<16x128xf32, #tpu.memory_space<hbm>>
      %dma_wait3A_1089 = arith.constant 160 : i32
      %dma_wait3A_1090 = arith.constant 0 : i32
      %dma_wait3A_1091 = tpu.memref_slice %arg7[%dma_wait3A_1089, %dma_wait3A_1090] : memref<208x128xf32, #tpu.memory_space<vmem>> -> memref<16x128xf32, #tpu.memory_space<vmem>>
      %dma_wait3A_1092 = arith.constant 160 : i32
      %dma_wait3A_1093 = arith.constant 0 : i32
      %dma_wait3A_1094 = tpu.memref_slice %arg4[%dma_wait3A_1092, %dma_wait3A_1093] : memref<100000x128xf32, #tpu.memory_space<hbm>> -> memref<16x128xf32, #tpu.memory_space<hbm>>
      tpu.wait_dma2 semaphore(%arg10 : memref<!tpu.dma_semaphore, #tpu.memory_space<semaphore_mem>>) src(%dma_wait3A_1094 : memref<16x128xf32, #tpu.memory_space<hbm>>) dst(%dma_wait3A_1091 : memref<16x128xf32, #tpu.memory_space<vmem>>)
      %dma_wait3A_1095 = arith.constant 176 : i32
      %dma_wait3A_1096 = arith.constant 0 : i32
      %dma_wait3A_1097 = tpu.memref_slice %arg7[%dma_wait3A_1095, %dma_wait3A_1096] : memref<208x128xf32, #tpu.memory_space<vmem>> -> memref<16x128xf32, #tpu.memory_space<vmem>>
      %dma_wait3A_1098 = arith.constant 176 : i32
      %dma_wait3A_1099 = arith.constant 0 : i32
      %dma_wait3A_1100 = tpu.memref_slice %arg4[%dma_wait3A_1098, %dma_wait3A_1099] : memref<100000x128xf32, #tpu.memory_space<hbm>> -> memref<16x128xf32, #tpu.memory_space<hbm>>
      %dma_wait3A_1101 = arith.constant 176 : i32
      %dma_wait3A_1102 = arith.constant 0 : i32
      %dma_wait3A_1103 = tpu.memref_slice %arg7[%dma_wait3A_1101, %dma_wait3A_1102] : memref<208x128xf32, #tpu.memory_space<vmem>> -> memref<16x128xf32, #tpu.memory_space<vmem>>
      %dma_wait3A_1104 = arith.constant 176 : i32
      %dma_wait3A_1105 = arith.constant 0 : i32
      %dma_wait3A_1106 = tpu.memref_slice %arg4[%dma_wait3A_1104, %dma_wait3A_1105] : memref<100000x128xf32, #tpu.memory_space<hbm>> -> memref<16x128xf32, #tpu.memory_space<hbm>>
      tpu.wait_dma2 semaphore(%arg10 : memref<!tpu.dma_semaphore, #tpu.memory_space<semaphore_mem>>) src(%dma_wait3A_1106 : memref<16x128xf32, #tpu.memory_space<hbm>>) dst(%dma_wait3A_1103 : memref<16x128xf32, #tpu.memory_space<vmem>>)
      %dma_wait3A_1107 = arith.constant 192 : i32
      %dma_wait3A_1108 = arith.constant 0 : i32
      %dma_wait3A_1109 = tpu.memref_slice %arg7[%dma_wait3A_1107, %dma_wait3A_1108] : memref<208x128xf32, #tpu.memory_space<vmem>> -> memref<16x128xf32, #tpu.memory_space<vmem>>
      %dma_wait3A_1110 = arith.constant 192 : i32
      %dma_wait3A_1111 = arith.constant 0 : i32
      %dma_wait3A_1112 = tpu.memref_slice %arg4[%dma_wait3A_1110, %dma_wait3A_1111] : memref<100000x128xf32, #tpu.memory_space<hbm>> -> memref<16x128xf32, #tpu.memory_space<hbm>>
      %dma_wait3A_1113 = arith.constant 192 : i32
      %dma_wait3A_1114 = arith.constant 0 : i32
      %dma_wait3A_1115 = tpu.memref_slice %arg7[%dma_wait3A_1113, %dma_wait3A_1114] : memref<208x128xf32, #tpu.memory_space<vmem>> -> memref<16x128xf32, #tpu.memory_space<vmem>>
      %dma_wait3A_1116 = arith.constant 192 : i32
      %dma_wait3A_1117 = arith.constant 0 : i32
      %dma_wait3A_1118 = tpu.memref_slice %arg4[%dma_wait3A_1116, %dma_wait3A_1117] : memref<100000x128xf32, #tpu.memory_space<hbm>> -> memref<16x128xf32, #tpu.memory_space<hbm>>
      tpu.wait_dma2 semaphore(%arg10 : memref<!tpu.dma_semaphore, #tpu.memory_space<semaphore_mem>>) src(%dma_wait3A_1118 : memref<16x128xf32, #tpu.memory_space<hbm>>) dst(%dma_wait3A_1115 : memref<16x128xf32, #tpu.memory_space<vmem>>)
      %broadcast_in_dim3A_1119 = arith.constant 0.000000e+00 : f32
      %broadcast_in_dim3A_1120 = vector.broadcast %broadcast_in_dim3A_1119 : f32 to vector<16xf32>
      %broadcast_in_dim3A_1121 = arith.constant 0.000000e+00 : f32
      %broadcast_in_dim3A_1122 = vector.broadcast %broadcast_in_dim3A_1121 : f32 to vector<16xf32>
      %broadcast_in_dim3A_1123 = arith.constant 0.000000e+00 : f32
      %broadcast_in_dim3A_1124 = vector.broadcast %broadcast_in_dim3A_1123 : f32 to vector<16xf32>
      %broadcast_in_dim3A_1125 = arith.constant 0.000000e+00 : f32
      %broadcast_in_dim3A_1126 = vector.broadcast %broadcast_in_dim3A_1125 : f32 to vector<16xf32>
      %broadcast_in_dim3A_1127 = arith.constant 0.000000e+00 : f32
      %broadcast_in_dim3A_1128 = vector.broadcast %broadcast_in_dim3A_1127 : f32 to vector<16xf32>
      %broadcast_in_dim3A_1129 = arith.constant 0.000000e+00 : f32
      %broadcast_in_dim3A_1130 = vector.broadcast %broadcast_in_dim3A_1129 : f32 to vector<16xf32>
      %broadcast_in_dim3A_1131 = arith.constant 0.000000e+00 : f32
      %broadcast_in_dim3A_1132 = vector.broadcast %broadcast_in_dim3A_1131 : f32 to vector<16xf32>
      %broadcast_in_dim3A_1133 = arith.constant 0.000000e+00 : f32
      %broadcast_in_dim3A_1134 = vector.broadcast %broadcast_in_dim3A_1133 : f32 to vector<16xf32>
      %scan3A_1135 = arith.constant 0 : i32
      %scan3A_1136 = arith.constant 208 : i32
      %scan3A_1137 = arith.addi %scan3A_1135, %scan3A_1136 : i32
      %scan3A_1138 = arith.constant 1 : i32
      %scan3A_1139:8 = scf.for %scan3A_1294 = %scan3A_1135 to %scan3A_1137 step %scan3A_1138 iter_args(%scan3A_1295 = %broadcast_in_dim3A_1120, %scan3A_1296 = %broadcast_in_dim3A_1122, %scan3A_1297 = %broadcast_in_dim3A_1124, %scan3A_1298 = %broadcast_in_dim3A_1126, %scan3A_1299 = %broadcast_in_dim3A_1128, %scan3A_1300 = %broadcast_in_dim3A_1130, %scan3A_1301 = %broadcast_in_dim3A_1132, %scan3A_1302 = %broadcast_in_dim3A_1134) -> (vector<16xf32>, vector<16xf32>, vector<16xf32>, vector<16xf32>, vector<16xf32>, vector<16xf32>, vector<16xf32>, vector<16xf32>)  : i32 {
        %get3A_1303 = arith.index_cast %scan3A_1294 : i32 to index
        %get3A_1304 = arith.constant 0 : index
        %get3A_1305 = tpu.vector_load %arg7[%get3A_1303, %get3A_1304] {strides = array<i32>} : memref<208x128xf32, #tpu.memory_space<vmem>>, vector<16xf32>,
        %add3A_1306 = arith.addf %scan3A_1295, %get3A_1305 : vector<16xf32>
        %get3A_1307 = arith.index_cast %scan3A_1294 : i32 to index
        %get3A_1308 = arith.constant 16 : index
        %get3A_1309 = tpu.vector_load %arg7[%get3A_1307, %get3A_1308] {strides = array<i32>} : memref<208x128xf32, #tpu.memory_space<vmem>>, vector<16xf32>,
        %add3A_1310 = arith.addf %scan3A_1296, %get3A_1309 : vector<16xf32>
        %get3A_1311 = arith.index_cast %scan3A_1294 : i32 to index
        %get3A_1312 = arith.constant 32 : index
        %get3A_1313 = tpu.vector_load %arg7[%get3A_1311, %get3A_1312] {strides = array<i32>} : memref<208x128xf32, #tpu.memory_space<vmem>>, vector<16xf32>,
        %add3A_1314 = arith.addf %scan3A_1297, %get3A_1313 : vector<16xf32>
        %get3A_1315 = arith.index_cast %scan3A_1294 : i32 to index
        %get3A_1316 = arith.constant 48 : index
        %get3A_1317 = tpu.vector_load %arg7[%get3A_1315, %get3A_1316] {strides = array<i32>} : memref<208x128xf32, #tpu.memory_space<vmem>>, vector<16xf32>,
        %add3A_1318 = arith.addf %scan3A_1298, %get3A_1317 : vector<16xf32>
        %get3A_1319 = arith.index_cast %scan3A_1294 : i32 to index
        %get3A_1320 = arith.constant 64 : index
        %get3A_1321 = tpu.vector_load %arg7[%get3A_1319, %get3A_1320] {strides = array<i32>} : memref<208x128xf32, #tpu.memory_space<vmem>>, vector<16xf32>,
        %add3A_1322 = arith.addf %scan3A_1299, %get3A_1321 : vector<16xf32>
        %get3A_1323 = arith.index_cast %scan3A_1294 : i32 to index
        %get3A_1324 = arith.constant 80 : index
        %get3A_1325 = tpu.vector_load %arg7[%get3A_1323, %get3A_1324] {strides = array<i32>} : memref<208x128xf32, #tpu.memory_space<vmem>>, vector<16xf32>,
        %add3A_1326 = arith.addf %scan3A_1300, %get3A_1325 : vector<16xf32>
        %get3A_1327 = arith.index_cast %scan3A_1294 : i32 to index
        %get3A_1328 = arith.constant 96 : index
        %get3A_1329 = tpu.vector_load %arg7[%get3A_1327, %get3A_1328] {strides = array<i32>} : memref<208x128xf32, #tpu.memory_space<vmem>>, vector<16xf32>,
        %add3A_1330 = arith.addf %scan3A_1301, %get3A_1329 : vector<16xf32>
        %get3A_1331 = arith.index_cast %scan3A_1294 : i32 to index
        %get3A_1332 = arith.constant 112 : index
        %get3A_1333 = tpu.vector_load %arg7[%get3A_1331, %get3A_1332] {strides = array<i32>} : memref<208x128xf32, #tpu.memory_space<vmem>>, vector<16xf32>,
        %add3A_1334 = arith.addf %scan3A_1302, %get3A_1333 : vector<16xf32>
        scf.yield %add3A_1306, %add3A_1310, %add3A_1314, %add3A_1318, %add3A_1322, %add3A_1326, %add3A_1330, %add3A_1334 : vector<16xf32>, vector<16xf32>, vector<16xf32>, vector<16xf32>, vector<16xf32>, vector<16xf32>, vector<16xf32>, vector<16xf32>
      }
      %scan3A_1140 = arith.constant 208 : i32
      %sub3A_1141 = arith.constant 208 : i32
      %sub3A_1142 = arith.subi %sub3A_1141, %add3A_801 : i32
      %broadcast_in_dim3A_1143 = vector.broadcast %sub3A_1142 : i32 to vector<16xi32>
      %convert_element_type3A_1144 = arith.sitofp %broadcast_in_dim3A_1143 : vector<16xi32> to vector<16xf32>
      %broadcast_in_dim3A_1145 = vector.broadcast %add3A_801 : i32 to vector<16xi32>
      %convert_element_type3A_1146 = arith.sitofp %broadcast_in_dim3A_1145 : vector<16xi32> to vector<16xf32>
      %max3A_1147 = arith.constant 9.99999997E-7 : f32
      %max3A_1148 = vector.broadcast %max3A_1147 : f32 to vector<16xf32>
      %max3A_1149 = arith.maximumf %convert_element_type3A_1146, %max3A_1148 : vector<16xf32>
      %get3A_1150 = arith.constant 0 : index
      %get3A_1151 = tpu.vector_load %arg8[%get3A_1150] {strides = array<i32>} : memref<128xf32, #tpu.memory_space<vmem>>, vector<16xf32>,
      %mul3A_1152 = arith.mulf %convert_element_type3A_1144, %get3A_1151 : vector<16xf32>
      %sub3A_1153 = arith.subf %scan3A_1139#0, %mul3A_1152 : vector<16xf32>
      %div3A_1154 = arith.divf %sub3A_1153, %max3A_1149 : vector<16xf32>
      %get3A_1155 = arith.constant 16 : index
      %get3A_1156 = tpu.vector_load %arg8[%get3A_1155] {strides = array<i32>} : memref<128xf32, #tpu.memory_space<vmem>>, vector<16xf32>,
      %mul3A_1157 = arith.mulf %convert_element_type3A_1144, %get3A_1156 : vector<16xf32>
      %sub3A_1158 = arith.subf %scan3A_1139#1, %mul3A_1157 : vector<16xf32>
      %div3A_1159 = arith.divf %sub3A_1158, %max3A_1149 : vector<16xf32>
      %get3A_1160 = arith.constant 32 : index
      %get3A_1161 = tpu.vector_load %arg8[%get3A_1160] {strides = array<i32>} : memref<128xf32, #tpu.memory_space<vmem>>, vector<16xf32>,
      %mul3A_1162 = arith.mulf %convert_element_type3A_1144, %get3A_1161 : vector<16xf32>
      %sub3A_1163 = arith.subf %scan3A_1139#2, %mul3A_1162 : vector<16xf32>
      %div3A_1164 = arith.divf %sub3A_1163, %max3A_1149 : vector<16xf32>
      %get3A_1165 = arith.constant 48 : index
      %get3A_1166 = tpu.vector_load %arg8[%get3A_1165] {strides = array<i32>} : memref<128xf32, #tpu.memory_space<vmem>>, vector<16xf32>,
      %mul3A_1167 = arith.mulf %convert_element_type3A_1144, %get3A_1166 : vector<16xf32>
      %sub3A_1168 = arith.subf %scan3A_1139#3, %mul3A_1167 : vector<16xf32>
      %div3A_1169 = arith.divf %sub3A_1168, %max3A_1149 : vector<16xf32>
      %get3A_1170 = arith.constant 64 : index
      %get3A_1171 = tpu.vector_load %arg8[%get3A_1170] {strides = array<i32>} : memref<128xf32, #tpu.memory_space<vmem>>, vector<16xf32>,
      %mul3A_1172 = arith.mulf %convert_element_type3A_1144, %get3A_1171 : vector<16xf32>
      %sub3A_1173 = arith.subf %scan3A_1139#4, %mul3A_1172 : vector<16xf32>
      %div3A_1174 = arith.divf %sub3A_1173, %max3A_1149 : vector<16xf32>
      %get3A_1175 = arith.constant 80 : index
      %get3A_1176 = tpu.vector_load %arg8[%get3A_1175] {strides = array<i32>} : memref<128xf32, #tpu.memory_space<vmem>>, vector<16xf32>,
      %mul3A_1177 = arith.mulf %convert_element_type3A_1144, %get3A_1176 : vector<16xf32>
      %sub3A_1178 = arith.subf %scan3A_1139#5, %mul3A_1177 : vector<16xf32>
      %div3A_1179 = arith.divf %sub3A_1178, %max3A_1149 : vector<16xf32>
      %get3A_1180 = arith.constant 96 : index
      %get3A_1181 = tpu.vector_load %arg8[%get3A_1180] {strides = array<i32>} : memref<128xf32, #tpu.memory_space<vmem>>, vector<16xf32>,
      %mul3A_1182 = arith.mulf %convert_element_type3A_1144, %get3A_1181 : vector<16xf32>
      %sub3A_1183 = arith.subf %scan3A_1139#6, %mul3A_1182 : vector<16xf32>
      %div3A_1184 = arith.divf %sub3A_1183, %max3A_1149 : vector<16xf32>
      %get3A_1185 = arith.constant 112 : index
      %get3A_1186 = tpu.vector_load %arg8[%get3A_1185] {strides = array<i32>} : memref<128xf32, #tpu.memory_space<vmem>>, vector<16xf32>,
      %mul3A_1187 = arith.mulf %convert_element_type3A_1144, %get3A_1186 : vector<16xf32>
      %sub3A_1188 = arith.subf %scan3A_1139#7, %mul3A_1187 : vector<16xf32>
      %div3A_1189 = arith.divf %sub3A_1188, %max3A_1149 : vector<16xf32>
      %mul3A_1190 = arith.mulf %div3A, %div3A_1154 : vector<16xf32>
      %mul3A_1191 = arith.mulf %div3A, %div3A : vector<16xf32>
      %mul3A_1192 = arith.mulf %div3A_1154, %div3A_1154 : vector<16xf32>
      %mul3A_1193 = arith.mulf %div3A_563, %div3A_1159 : vector<16xf32>
      %add3A_1194 = arith.addf %mul3A_1190, %mul3A_1193 : vector<16xf32>
      %mul3A_1195 = arith.mulf %div3A_563, %div3A_563 : vector<16xf32>
      %add3A_1196 = arith.addf %mul3A_1191, %mul3A_1195 : vector<16xf32>
      %mul3A_1197 = arith.mulf %div3A_1159, %div3A_1159 : vector<16xf32>
      %add3A_1198 = arith.addf %mul3A_1192, %mul3A_1197 : vector<16xf32>
      %mul3A_1199 = arith.mulf %div3A_568, %div3A_1164 : vector<16xf32>
      %add3A_1200 = arith.addf %add3A_1194, %mul3A_1199 : vector<16xf32>
      %mul3A_1201 = arith.mulf %div3A_568, %div3A_568 : vector<16xf32>
      %add3A_1202 = arith.addf %add3A_1196, %mul3A_1201 : vector<16xf32>
      %mul3A_1203 = arith.mulf %div3A_1164, %div3A_1164 : vector<16xf32>
      %add3A_1204 = arith.addf %add3A_1198, %mul3A_1203 : vector<16xf32>
      %mul3A_1205 = arith.mulf %div3A_573, %div3A_1169 : vector<16xf32>
      %add3A_1206 = arith.addf %add3A_1200, %mul3A_1205 : vector<16xf32>
      %mul3A_1207 = arith.mulf %div3A_573, %div3A_573 : vector<16xf32>
      %add3A_1208 = arith.addf %add3A_1202, %mul3A_1207 : vector<16xf32>
      %mul3A_1209 = arith.mulf %div3A_1169, %div3A_1169 : vector<16xf32>
      %add3A_1210 = arith.addf %add3A_1204, %mul3A_1209 : vector<16xf32>
      %mul3A_1211 = arith.mulf %div3A_578, %div3A_1174 : vector<16xf32>
      %add3A_1212 = arith.addf %add3A_1206, %mul3A_1211 : vector<16xf32>
      %mul3A_1213 = arith.mulf %div3A_578, %div3A_578 : vector<16xf32>
      %add3A_1214 = arith.addf %add3A_1208, %mul3A_1213 : vector<16xf32>
      %mul3A_1215 = arith.mulf %div3A_1174, %div3A_1174 : vector<16xf32>
      %add3A_1216 = arith.addf %add3A_1210, %mul3A_1215 : vector<16xf32>
      %mul3A_1217 = arith.mulf %div3A_583, %div3A_1179 : vector<16xf32>
      %add3A_1218 = arith.addf %add3A_1212, %mul3A_1217 : vector<16xf32>
      %mul3A_1219 = arith.mulf %div3A_583, %div3A_583 : vector<16xf32>
      %add3A_1220 = arith.addf %add3A_1214, %mul3A_1219 : vector<16xf32>
      %mul3A_1221 = arith.mulf %div3A_1179, %div3A_1179 : vector<16xf32>
      %add3A_1222 = arith.addf %add3A_1216, %mul3A_1221 : vector<16xf32>
      %mul3A_1223 = arith.mulf %div3A_588, %div3A_1184 : vector<16xf32>
      %add3A_1224 = arith.addf %add3A_1218, %mul3A_1223 : vector<16xf32>
      %mul3A_1225 = arith.mulf %div3A_588, %div3A_588 : vector<16xf32>
      %add3A_1226 = arith.addf %add3A_1220, %mul3A_1225 : vector<16xf32>
      %mul3A_1227 = arith.mulf %div3A_1184, %div3A_1184 : vector<16xf32>
      %add3A_1228 = arith.addf %add3A_1222, %mul3A_1227 : vector<16xf32>
      %mul3A_1229 = arith.mulf %div3A_593, %div3A_1189 : vector<16xf32>
      %add3A_1230 = arith.addf %add3A_1224, %mul3A_1229 : vector<16xf32>
      %mul3A_1231 = arith.mulf %div3A_593, %div3A_593 : vector<16xf32>
      %add3A_1232 = arith.addf %add3A_1226, %mul3A_1231 : vector<16xf32>
      %mul3A_1233 = arith.mulf %div3A_1189, %div3A_1189 : vector<16xf32>
      %add3A_1234 = arith.addf %add3A_1228, %mul3A_1233 : vector<16xf32>
      %reduce_sum3A_1235 = arith.constant true
      %reduce_sum3A_1236 = vector.broadcast %reduce_sum3A_1235 : i1 to vector<16xi1>
      %reduce_sum3A_1237 = tpu.scan <sum>, %add3A_1230 masked %reduce_sum3A_1236 : vector<16xf32>, vector<16xi1> -> vector<16xf32>
      %reduce_sum3A_1238 = vector.extract %reduce_sum3A_1237[15] : f32 from vector<16xf32>
      %broadcast_in_dim3A_1239 = vector.broadcast %reduce_sum3A_1238 : f32 to vector<16xf32>
      %reduce_sum3A_1240 = arith.constant true
      %reduce_sum3A_1241 = vector.broadcast %reduce_sum3A_1240 : i1 to vector<16xi1>
      %reduce_sum3A_1242 = tpu.scan <sum>, %add3A_1232 masked %reduce_sum3A_1241 : vector<16xf32>, vector<16xi1> -> vector<16xf32>
      %reduce_sum3A_1243 = vector.extract %reduce_sum3A_1242[15] : f32 from vector<16xf32>
      %broadcast_in_dim3A_1244 = vector.broadcast %reduce_sum3A_1243 : f32 to vector<16xf32>
      %reduce_sum3A_1245 = arith.constant true
      %reduce_sum3A_1246 = vector.broadcast %reduce_sum3A_1245 : i1 to vector<16xi1>
      %reduce_sum3A_1247 = tpu.scan <sum>, %add3A_1234 masked %reduce_sum3A_1246 : vector<16xf32>, vector<16xi1> -> vector<16xf32>
      %reduce_sum3A_1248 = vector.extract %reduce_sum3A_1247[15] : f32 from vector<16xf32>
      %broadcast_in_dim3A_1249 = vector.broadcast %reduce_sum3A_1248 : f32 to vector<16xf32>
      %mul3A_1250 = arith.mulf %broadcast_in_dim3A_1244, %broadcast_in_dim3A_1249 : vector<16xf32>
      %max3A_1251 = arith.constant 1.000000e-16 : f32
      %max3A_1252 = vector.broadcast %max3A_1251 : f32 to vector<16xf32>
      %max3A_1253 = arith.maximumf %mul3A_1250, %max3A_1252 : vector<16xf32>
      %broadcast_in_dim3A_1254 = arith.constant 1597463007 : i32
      %broadcast_in_dim3A_1255 = vector.broadcast %broadcast_in_dim3A_1254 : i32 to vector<16xi32>
      %bitcast3A = vector.bitcast %max3A_1253 : vector<16xf32> to vector<16xi32>
      %shift_right_arithmetic3A = arith.constant 1 : i32
      %shift_right_arithmetic3A_1256 = vector.broadcast %shift_right_arithmetic3A : i32 to vector<16xi32>
      %shift_right_arithmetic3A_1257 = arith.shrsi %bitcast3A, %shift_right_arithmetic3A_1256 : vector<16xi32>
      %sub3A_1258 = arith.subi %broadcast_in_dim3A_1255, %shift_right_arithmetic3A_1257 : vector<16xi32>
      %bitcast3A_1259 = vector.bitcast %sub3A_1258 : vector<16xi32> to vector<16xf32>
      %mul3A_1260 = arith.constant 5.000000e-01 : f32
      %mul3A_1261 = vector.broadcast %mul3A_1260 : f32 to vector<16xf32>
      %mul3A_1262 = arith.mulf %mul3A_1261, %max3A_1253 : vector<16xf32>
      %mul3A_1263 = arith.mulf %mul3A_1262, %bitcast3A_1259 : vector<16xf32>
      %mul3A_1264 = arith.mulf %mul3A_1263, %bitcast3A_1259 : vector<16xf32>
      %sub3A_1265 = arith.constant 1.500000e+00 : f32
      %sub3A_1266 = vector.broadcast %sub3A_1265 : f32 to vector<16xf32>
      %sub3A_1267 = arith.subf %sub3A_1266, %mul3A_1264 : vector<16xf32>
      %mul3A_1268 = arith.mulf %bitcast3A_1259, %sub3A_1267 : vector<16xf32>
      %mul3A_1269 = arith.constant 5.000000e-01 : f32
      %mul3A_1270 = vector.broadcast %mul3A_1269 : f32 to vector<16xf32>
      %mul3A_1271 = arith.mulf %mul3A_1270, %max3A_1253 : vector<16xf32>
      %mul3A_1272 = arith.mulf %mul3A_1271, %mul3A_1268 : vector<16xf32>
      %mul3A_1273 = arith.mulf %mul3A_1272, %mul3A_1268 : vector<16xf32>
      %sub3A_1274 = arith.constant 1.500000e+00 : f32
      %sub3A_1275 = vector.broadcast %sub3A_1274 : f32 to vector<16xf32>
      %sub3A_1276 = arith.subf %sub3A_1275, %mul3A_1273 : vector<16xf32>
      %mul3A_1277 = arith.mulf %mul3A_1268, %sub3A_1276 : vector<16xf32>
      %mul3A_1278 = arith.constant 5.000000e-01 : f32
      %mul3A_1279 = vector.broadcast %mul3A_1278 : f32 to vector<16xf32>
      %mul3A_1280 = arith.mulf %mul3A_1279, %max3A_1253 : vector<16xf32>
      %mul3A_1281 = arith.mulf %mul3A_1280, %mul3A_1277 : vector<16xf32>
      %mul3A_1282 = arith.mulf %mul3A_1281, %mul3A_1277 : vector<16xf32>
      %sub3A_1283 = arith.constant 1.500000e+00 : f32
      %sub3A_1284 = vector.broadcast %sub3A_1283 : f32 to vector<16xf32>
      %sub3A_1285 = arith.subf %sub3A_1284, %mul3A_1282 : vector<16xf32>
      %mul3A_1286 = arith.mulf %mul3A_1277, %sub3A_1285 : vector<16xf32>
      %mul3A_1287 = arith.mulf %broadcast_in_dim3A_1239, %mul3A_1286 : vector<16xf32>
      %mul3A_1288 = arith.constant 5.000000e+00 : f32
      %mul3A_1289 = vector.broadcast %mul3A_1288 : f32 to vector<16xf32>
      %mul3A_1290 = arith.mulf %mul3A_1287, %mul3A_1289 : vector<16xf32>
      %broadcast_in_dim3A_1291 = vector.broadcast %add3A_11 : i32 to vector<16xi32>
      %eq3A = arith.constant 0 : i32
      %eq3A_1292 = vector.broadcast %eq3A : i32 to vector<16xi32>
      %eq3A_1293 = arith.cmpi eq, %iota3A, %eq3A_1292 : vector<16xi32>
      tpu.vector_store_idx %arg9[%broadcast_in_dim3A_1291], %mul3A_1290 masked %eq3A_1293 : memref<32xf32, #tpu.memory_space<vmem>>[vector<16xi32>], vector<16xf32>, vector<16xi1>
    }
    %scan3A_6 = arith.constant 32 : i32
    "tpu.region"() ({
      %run_scoped3A_7 = tpu.sem_alloc : memref<!tpu.dma_semaphore, #tpu.memory_space<semaphore_mem>>
      %dma_start3A = tpu.memref_slice %arg5[%mul3A_2] : memref<1024xf32, #tpu.memory_space<hbm>> -> memref<32xf32, #tpu.memory_space<hbm>>
      %dma_start3A_8 = tpu.memref_slice %arg5[%mul3A_2] : memref<1024xf32, #tpu.memory_space<hbm>> -> memref<32xf32, #tpu.memory_space<hbm>>
      tpu.enqueue_dma source(%arg9 : memref<32xf32, #tpu.memory_space<vmem>>) target(%dma_start3A_8 : memref<32xf32, #tpu.memory_space<hbm>>) target_semaphore(%run_scoped3A_7 : memref<!tpu.dma_semaphore, #tpu.memory_space<semaphore_mem>>)
      %dma_wait3A = tpu.memref_slice %arg5[%mul3A_2] : memref<1024xf32, #tpu.memory_space<hbm>> -> memref<32xf32, #tpu.memory_space<hbm>>
      %dma_wait3A_9 = tpu.memref_slice %arg5[%mul3A_2] : memref<1024xf32, #tpu.memory_space<hbm>> -> memref<32xf32, #tpu.memory_space<hbm>>
      tpu.wait_dma2 semaphore(%run_scoped3A_7 : memref<!tpu.dma_semaphore, #tpu.memory_space<semaphore_mem>>) src(%arg9 : memref<32xf32, #tpu.memory_space<vmem>>) dst(%dma_wait3A_9 : memref<32xf32, #tpu.memory_space<hbm>>)
      tpu.yield
    }) : () -> ()
    return
  }
}

</mosaic_0001>

<sc_bundles>
// kernel: _pool_cos.3.cloned.1.call-start
scs
__scs_entry_jumppad:
0x0: {  	(pc) =	sbr.rel $0x88, $3  }
0x1: {  	(tag) =	ssettag $0x0;
	lr =	simm.s32 $0x1  }
0x2: {  	[smem:$0x3F9E] =	sst lr;
	_ =	strace $0xD0000000  }
0x3: {  	_ = 	snop  }
0x4: {  	_ = 	snop  }
0x5: {  	_ = 	snop  }
0x6: {  	_ = 	snop  }
0x7: {  	_ = 	snop  }
__scs_overlays_trampoline_lowered:
0x8: {  	[smem:$0x3FAD] =	sst s0  }
0x9: {  	[smem:$0x3FAE] =	sst s1  }
0xa: {  	[smem:$0x3FAF] =	sst s2  }
0xb: {  	[smem:$0x3FB0] =	sst s3  }
0xc: {  	[smem:$0x3FB1] =	sst s4  }
0xd: {  	[smem:$0x3FB2] =	sst s5  }
0xe: {  	[smem:$0x3FB3] =	sst s6  }
0xf: {  	[smem:$0x3FB4] =	sst s7  }
0x10: {  	[smem:$0x3FB5] =	sst s8  }
0x11: {  	[smem:$0x3FB6] =	sst s9;
	s0 =	simm.s32 @!p0 $0x0  }
0x12: {  	s1 =	sld [smem:$0x3F9C];
	s0 =	simm.s32 @p0 $0x1  }
0x13: {  	[smem:$0x3FB7] =	sst s0;
	s0 =	simm.s32 @!p1 $0x0  }
0x14: {  	s2 =	sld [smem:$0x3F9B];
	s0 =	simm.s32 @p1 $0x1  }
0x15: {  	[smem:$0x3FB8] =	sst s0;
	s0 =	simm.s32 @!p2 $0x0  }
0x16: {  	s3 =	sld [smem:$0x3FDB];
	s0 =	simm.s32 @p2 $0x1  }
0x17: {  	s4 =	simm.s32 $0x1BF5;
	[smem:$0x3FBA] =	sst s0  }
0x18: {  	s0 =	sld [smem:$0x3F9D];
	_ =	swait.ge [sflag:s4], $0x0  }
0x19: {  	s7 =	sld [smem:$0x3F9E]  }
0x1a: {  	s8 =	sadd.s32 $0xFFFFE003, lr  }
0x1b: {  	s9 =	sadd.s32 $0xFFFFFEF7, lr;
	s5 =	simm.s32 $0xFFFFFFFF;
	p2 =	slt.u32 s8, $0xFFFFF086  }
0x1c: {  	p1 =	slt.u32 s9, $0xF7A;
	s5 =	simm.s32 @!p2 $0x0  }
0x1d: {  	s5 =	simm.s32 @p1 $0x1;
	p0 =	seq.s32 s7, s2  }
0x1e: {  	s7 =	smul.u32 @!p0 $0xF7A, s2;
	p2 =	seq.s32 @!p0 s5, $0x0  }
0x1f: {  	s9 =	smul.u32 $0xF7A, s1;
	s8 =	simm.s32 @!p0 $0x1BF5;
	p2 =	por !p2, p0  }
0x20: {  	[sflag:s8] =	ssyncset.s32 @!p0 $0xFFFFF086;
	s6 =	sadd.s32 @!p0 s3, s7;
	s7 =	simm.s32 @!p0 $0x108  }
0x21: {  	s3 =	sadd.s32 s3, s9;
	s6 =	sadd.s32 @!p0 $0x88, s6;
	s7 =	simm.s32 @p2 $0x1082  }
0x22: {  	[simem:s7], [sflag:s8] =	dma.local @!p0 [hbm:s6], $0xF7A  }
0x23: {  	s9 =	sor.u32 $0xD0000000, s2;
	s6 =	simm.s32 $0x108;
	_ =	swait.ge @!p0 [sflag:s8], $0x0  }
0x24: {  	s3 =	sadd.s32 $0x88, s3;
	s6 =	simm.s32 @!p1 $0x1082;
	[sflag:s4] =	ssyncset.s32 $0xFFFFF086  }
0x25: {  	[simem:s6], [sflag:s4] =	dma.local [hbm:s3], $0xF7A  }
0x26: {  	[smem:$0x3F9E] =	sst s1;
	(tag) =	ssettag s2;
	_ =	strace s9  }
0x27: {  	s1 =	sld [smem:$0x3FAE]  }
0x28: {  	s2 =	sld [smem:$0x3FAF]  }
0x29: {  	s4 =	sld [smem:$0x3FB1]  }
0x2a: {  	p0 =	seq.s32 s5, $0x0;
	s5 =	sld [smem:$0x3FB2]  }
0x2b: {  	s6 =	sld [smem:$0x3FB3]  }
0x2c: {  	s7 =	sld [smem:$0x3FB4]  }
0x2d: {  	s3 =	simm.s32 $0x108;
	s8 =	sld [smem:$0x3FB5]  }
0x2e: {  	s3 =	simm.s32 @!p0 $0x1082;
	s9 =	sld [smem:$0x3FB6]  }
0x2f: {  	lr =	sadd.s32 s0, s3;
	s0 =	sld [smem:$0x3FAD]  }
0x30: {  	s3 =	sld [smem:$0x3FB0]  }
0x31: {  	[smem:$0x3FB9] =	sst s10  }
0x32: {  	s10 =	sld [smem:$0x3FB7];
	_ =	sdelay $0x3  }
0x33: {  	p0 =	seq.s32 s10, $0x1;
	s10 =	sld [smem:$0x3FB9];
	_ =	sdelay $0x3  }
0x34: {  	[smem:$0x3FB9] =	sst s10  }
0x35: {  	s10 =	sld [smem:$0x3FB8];
	_ =	sdelay $0x3  }
0x36: {  	p1 =	seq.s32 s10, $0x1;
	s10 =	sld [smem:$0x3FB9];
	_ =	sdelay $0x3  }
0x37: {  	[smem:$0x3FB9] =	sst s10  }
0x38: {  	s10 =	sld [smem:$0x3FBA]  }
0x39: {  	_ = 	snop;
	(pc) =	sbr.ind lr, $3  }
0x3a: {  	_ = 	snop  }
0x3b: {  	_ = 	snop  }
0x3c: {  	p2 =	seq.s32 s10, $0x1;
	s10 =	sld [smem:$0x3FB9]  }
0x3d: {  	_ =	shalt  }
0x3e: {  	_ =	shalt  }
0x3f: {  	_ =	shalt  }
0x40: {  	_ =	shalt  }
0x41: {  	_ =	shalt  }
0x42: {  	_ =	shalt  }
0x43: {  	_ =	shalt  }
0x44: {  	_ =	shalt  }
0x45: {  	_ =	shalt  }
0x46: {  	_ =	shalt  }
0x47: {  	_ =	shalt  }
0x48: {  	_ =	shalt  }
0x49: {  	_ =	shalt  }
0x4a: {  	_ =	shalt  }
0x4b: {  	_ =	shalt  }
0x4c: {  	_ =	shalt  }
0x4d: {  	_ =	shalt  }
0x4e: {  	_ =	shalt  }
0x4f: {  	_ =	shalt  }
0x50: {  	_ =	shalt  }
0x51: {  	_ =	shalt  }
0x52: {  	_ =	shalt  }
0x53: {  	_ =	shalt  }
0x54: {  	_ =	shalt  }
0x55: {  	_ =	shalt  }
0x56: {  	_ =	shalt  }
0x57: {  	_ =	shalt  }
0x58: {  	_ =	shalt  }
0x59: {  	_ =	shalt  }
0x5a: {  	_ =	shalt  }
0x5b: {  	_ =	shalt  }
0x5c: {  	_ =	shalt  }
0x5d: {  	_ =	shalt  }
0x5e: {  	_ =	shalt  }
0x5f: {  	_ =	shalt  }
0x60: {  	_ =	shalt  }
0x61: {  	_ =	shalt  }
0x62: {  	_ =	shalt  }
0x63: {  	_ =	shalt  }
0x64: {  	_ =	shalt  }
0x65: {  	_ =	shalt  }
0x66: {  	_ =	shalt  }
0x67: {  	_ =	shalt  }
0x68: {  	_ =	shalt  }
0x69: {  	_ =	shalt  }
0x6a: {  	_ =	shalt  }
0x6b: {  	_ =	shalt  }
0x6c: {  	_ =	shalt  }
0x6d: {  	_ =	shalt  }
0x6e: {  	_ =	shalt  }
0x6f: {  	_ =	shalt  }
0x70: {  	_ =	shalt  }
0x71: {  	_ =	shalt  }
0x72: {  	_ =	shalt  }
0x73: {  	_ =	shalt  }
0x74: {  	_ =	shalt  }
0x75: {  	_ =	shalt  }
0x76: {  	_ =	shalt  }
0x77: {  	_ =	shalt  }
0x78: {  	_ =	shalt  }
0x79: {  	_ =	shalt  }
0x7a: {  	_ =	shalt  }
0x7b: {  	_ =	shalt  }
0x7c: {  	_ =	shalt  }
0x7d: {  	_ =	shalt  }
0x7e: {  	_ =	shalt  }
0x7f: {  	_ =	shalt  }
0x80: {  	_ =	shalt  }
0x81: {  	_ =	shalt  }
0x82: {  	_ =	shalt  }
0x83: {  	_ =	shalt  }
0x84: {  	_ =	shalt  }
0x85: {  	_ =	shalt  }
0x86: {  	_ =	shalt  }
0x87: {  	_ =	shalt  }
.Lfunc_end0:
.L_simem_size_0:
called_computation_lowered:
.L_overlay_start_0:
0x88: {  	s2 =	sld [smem:$0x3FD9]  }
0x89: {  	s3 =	sld [smem:$0x3FFE];
	_ =	sdelay $0x1  }
0x8a: {  	s1 =	srdreg.scid  }
0x8b: {  	s0 =	sand.u32 $0x1, s1  }
0x8c: {  	s17 =	sshll.u32 s0, $0xA;
	s2 =	sadd.s32 s3, s2  }
0x8d: {  	s2 =	sadd.s32 s2, s17  }
0x8e: {  	[smem:$0x3FC5] =	sst s2  }
0x8f: {  	_ = 	snop  }
0x90: {  	s2 =	sld [smem:$0x3FC7]  }
0x91: {  	s18 =	sld [smem:$0x3FD0];
	(tm) =	ssettm $0x1  }
0x92: {  	s4 =	sld [smem:$0x3FFB];
	_ =	sdelay $0x3  }
0x93: {  	_ =	strace s4  }
0x94: {  	s4 =	sld [smem:$0x3FFC];
	_ =	sdelay $0x3  }
0x95: {  	_ =	strace s4  }
0x96: {  	s4 =	sld [smem:$0x3FFD];
	_ =	sdelay $0x3  }
0x97: {  	_ =	strace s4  }
0x98: {  	_ =	strace $0x8FFFFFFF  }
0x99: {  	s19 =	sld [smem:$0x3FDB];
	_ =	sdelay $0x1  }
0x9a: {  	s5 =	simm.s32 $_scs_section_size  }
0x9b: {  	s6 =	simm.s32 $_size__tile_overlayer_lowered;
	s7 =	simm.s32 $_tile_overlayer_lowered  }
0x9c: {  	s22 =	simm.s32 $0x1BFF;
	s21 =	sshll.u32 s7, $0x1;
	s4 =	sadd.s32 s5, s19  }
0x9d: {  	s8 =	simm.s32 $0x0;
	s20 =	sshll.u32 s6, $0x1;
	s6 =	sadd.s32 s21, s4  }
0x9e: {  	[timem:s8], [sflag:s22] =	dma.local [hbm:s6], s20  }
0x9f: {  	_ =	swait.ge [sflag:s22], s20  }
0xa0: {  	s5 =	ssub.s32 $0x0, s20;
	[sflag:s22] =	ssyncset.done $0x0  }
0xa1: {  	[sflag:s22] =	ssyncadd.s32 s5;
	_ =	sdelay $0x1  }
0xa2: {  	s23 =	simm.s32 $0x1B8B  }
0xa3: {  	_ =	swait.ge [sflag:s23], $0x1  }
0xa4: {  	[sflag:s23] =	ssyncset.done $0x0  }
0xa5: {  	s25 =	simm.s32 $0x1B8E;
	s24 =	sld [smem:$0x3FFE];
	[sflag:s23] =	ssyncadd.s32 $0xFFFFFFFF  }
0xa6: {  	s26 =	simm.s32 $execute0_lowered;
	[smem:$0x3FD2] =	sst s25  }
0xa7: {  	s6 =	sshll.u32 s26, $0x1;
	_ =	strace $0x80000046;
	[dreg:$0x1] =	wrdreg $0xFFFFFFFF  }
0xa8: {  	s28 =	simm.s32 $_size_execute0_lowered;
	s4 =	sadd.s32 s4, s6;
	[dreg:$0x0] =	wrdreg $0x0  }
0xa9: {  	s6 =	sshll.u32 s28, $0x1;
	[dreg:$0x2] =	wrdreg s4  }
0xaa: {  	[dreg:$0x3] =	wrdreg s6  }
0xab: {  	[dreg:$0x4] =	wrdreg $0xC0  }
0xac: {  	_ =	task [dreg:s8], $0x5FFFF  }
0xad: {  	[dreg:$0x1] =	wrdreg $0xFFFFFFFF  }
0xae: {  	[dreg:$0x0] =	wrdreg $0x60  }
0xaf: {  	[dreg:$0x2] =	wrdreg s24  }
0xb0: {  	[dreg:$0x3] =	wrdreg s2  }
0xb1: {  	[dreg:$0x4] =	wrdreg s18  }
0xb2: {  	[dreg:$0x5] =	wrdreg $0x9  }
0xb3: {  	_ =	task.clear_ibuf [dreg:s8], $0x6FFFF;
	_ =	strace $0x90000046  }
0xb4: {  	s29 =	simm.s32 $0x9;
	_ =	strace $0x80000048  }
0xb5: {  	_ =	swait.ge [sflag:s29], $0x1  }
0xb6: {  	[sflag:s29] =	ssyncadd.s32 $0xFFFFFFFF  }
0xb7: {  	_ =	strace $0x90000048  }
0xb8: {  	_ =	sfence  }
0xb9: {  	s30 =	sld [smem:$0x0];
	_ =	sdelay $0x2  }
0xba: {  	s31 =	sshll.u32 s1, $0xD;
	s1 =	sshrl.u32 s1, $0x2  }
0xbb: {  	s3 =	sand.u32 $0x4000, s31;
	s1 =	sadd.s32 s1, s30  }
0xbc: {  	s0 =	sor.u32 s3, s0;
	s1 =	sshll.u32 s1, $0x11  }
0xbd: {  	s0 =	sor.u32 s1, s0  }
0xbe: {  	s0 =	sadd.s32 $0x8F2B, s0  }
0xbf: {  	[sflag:s0] =	ssyncadd.remote.s32 $0x1  }
0xc0: {  	_ =	sfence.sel $0xFFFF  }
0xc1: {  	[dreg:$0x0] =	wrdreg $0xFFFFFFFF;
	(pc) =	sbr.abs _section_cstart, $3  }
0xc2: {  	[dreg:$0x1] =	wrdreg $0xFFFFFFFF  }
0xc3: {  	_ =	task.clear_ibuf [dreg:s8], $0x2FFFF;
	_ =	strace $0x9FFFFFFF  }
0xc4: {  	(tm) =	ssettm $0x7FFFFFFF  }
0xc5: {  	_ =	shalt  }
tec
execute0_lowered:
.L_overlay_start_1:
0x0: {  	(tag) =	ssettag $0x1  }
0x1: {  	s0 =	rddreg [dreg:$0x0]  }
0x2: {  	s23 =	rddreg [dreg:$0x1]  }
0x3: {  	s1 =	rddreg [dreg:$0x2]  }
0x4: {  	s6 =	simm.s32 $0x0;
	s2 =	srdreg.scid;
	s5 =	stileid.u32  }
0x5: {  	s22 =	simm.s32 $0x2;
	s28 =	simm.s32 $0x20D0;
	s29 =	simm.s32 $0x28D0  }
0x6: {  	s30 =	simm.s32 $0x30D0;
	s31 =	simm.s32 $0x38D0;
	s21 =	simm.s32 $0x50D0  }
0x7: {  	s19 =	simm.s32 $0x60D0;
	s20 =	simm.s32 $0x1;
	[smem:$0x7FF] =	sst s6  }
0x8: {  	s2 =	sand.u32 $0x1, s2;
	s3 =	sadd.s32 $0x400, s0;
	s5 =	sshll.u32 s5, $0x6  }
0x9: {  	s0 =	sadd.s32 $0x6800, s0;
	s7 =	sadd.s32 $0x100, s23;
	s8 =	sadd.s32 $0x200, s23  }
0xa: {  	s9 =	sadd.s32 $0x300, s23;
	s10 =	sadd.s32 $0x400, s23;
	s11 =	sadd.s32 $0x500, s23  }
0xb: {  	s12 =	sadd.s32 $0x600, s23;
	s13 =	sadd.s32 $0x700, s23;
	s14 =	sadd.s32 $0x800, s23  }
0xc: {  	s15 =	sadd.s32 $0x900, s23;
	s16 =	sadd.s32 $0xA00, s23;
	s17 =	sadd.s32 $0xB00, s23  }
0xd: {  	s18 =	sadd.s32 $0xC00, s23;
	_ =	strace $0x80000047;
	[dreg:$0x4] =	wrdreg s3  }
0xe: {  	s25 =	ssub.s32 $0x2, s2;
	s2 =	sshll.u32 s2, $0x5;
	[dreg:$0x5] =	wrdreg s0  }
0xf: {  	s3 =	simm.s32 $0x48D0;
	s4 =	sshrl.u32 s25, $0x1;
	s2 =	sor.u32 s2, s5  }
0x10: {  	s26 =	ssub.s32 s25, s4;
	[dreg:$0x6] =	wrdreg s2;
	s2 =	sshrl.u32 s2, $0x3  }
0x11: {  	s25 =	simm.s32 $0x10D0;
	s4 =	simm.s32 $0x0;
	s1 =	sadd.s32 s1, s2  }
0x12: {  	s0 =	smax.u32 s26, $0x1;
	s26 =	simm.s32 $0x18D0;
	[dreg:$0x7] =	wrdreg s1  }
0x13: {  	vm0 =	vmmov $0xff;
	v0 =	vimm.s32 $0x0;
	s2 =	simm.s32 $0x58D0;
	[dreg:$0x8] =	wrdreg s0;
	s0 =	simm.s32 $0x40D0  }
.LBB2_1:
0x14: {  	[dreg:$0x9] =	wrdreg s4;
	s1 =	simm.s32 $0x68D0  }
0x15: {  	[tilespmem:s1], [sflag:$0x2] =	stream.linear.gather [hbm4b:s23+s6], $0x80, $0x38;
	[tilespmem:$0x6970] =	vst v63  }
0x16: {  	_ =	swait.ge [sflag:s22], $0x80  }
0x17: {  	[sflag:s22] =	ssyncset.done $0x0  }
0x18: {  	s4 =	simm.s32 $0x0;
	[sflag:s22] =	ssyncadd.s32 $0xFFFFFF80  }
.LBB2_2:
0x19: {  	s1 =	rddreg [dreg:$0x6]  }
0x1a: {  	s1 =	sor.u32 s1, s4  }
0x1b: {  	s5 =	smul.u32 $0x19, s1  }
0x1c: {  	s6 =	rddreg [dreg:$0x4]  }
0x1d: {  	s1 =	simm.s32 $0x0;
	s6 =	sadd.s32 s6, s5  }
0x1e: {  	[tilespmem:s1], [sflag:$0x2] =	stream.linear.gather [hbm4b:s6+s1], $0xC8, $0x38;
	[tilespmem:$0x6970] =	vst v63  }
0x1f: {  	_ =	swait.ge [sflag:s22], $0xC8  }
0x20: {  	[sflag:s22] =	ssyncset.done $0x0  }
0x21: {  	[sflag:s22] =	ssyncadd.s32 $0xFFFFFF38  }
0x22: {  	v20 =	vld [tilespmem:$0x0]  }
0x23: {  	v19 =	vld [tilespmem:$0x10]  }
0x24: {  	v18 =	vld [tilespmem:$0x20]  }
0x25: {  	v17 =	vld [tilespmem:$0x30]  }
0x26: {  	v16 =	vld [tilespmem:$0x40]  }
0x27: {  	v15 =	vld [tilespmem:$0x50]  }
0x28: {  	v12 =	vld [tilespmem:$0x60];
	vm1 =	vgt.s32 v20, $0x0  }
0x29: {  	v13 =	vld [tilespmem:$0x70];
	v1 =	vnsel vm1, $0x0, v20;
	vm1 =	vgt.s32 v19, $0x0  }
0x2a: {  	v14 =	vld [tilespmem:$0x80];
	[tilespmem:$0x0] =	vst v1;
	v1 =	vnsel vm1, $0x0, v19;
	vm1 =	vgt.s32 v18, $0x0  }
0x2b: {  	v11 =	vld [tilespmem:$0x90];
	[tilespmem:$0x10] =	vst v1;
	v1 =	vnsel vm1, $0x0, v18;
	vm1 =	vgt.s32 v17, $0x0  }
0x2c: {  	v10 =	vld [tilespmem:$0xA0];
	[tilespmem:$0x20] =	vst v1;
	v1 =	vnsel vm1, $0x0, v17;
	vm1 =	vgt.s32 v16, $0x0  }
0x2d: {  	v9 =	vld [tilespmem:$0xB0];
	[tilespmem:$0x30] =	vst v1;
	v1 =	vnsel vm1, $0x0, v16;
	vm1 =	vgt.s32 v15, $0x0  }
0x2e: {  	v2 =	vld [tilespmem:$0xC0];
	[tilespmem:$0x40] =	vst v1;
	v1 =	vnsel vm1, $0x0, v15;
	vm1 =	vgt.s32 v12, $0x0  }
0x2f: {  	[tilespmem:$0x50] =	vst v1;
	v1 =	vnsel vm1, $0x0, v12;
	vm1 =	vgt.s32 v13, $0x0  }
0x30: {  	[tilespmem:$0x60] =	vst v1;
	v1 =	vnsel vm1, $0x0, v13;
	vm1 =	vgt.s32 v14, $0x0  }
0x31: {  	[tilespmem:$0x70] =	vst v1;
	v1 =	vnsel vm1, $0x0, v14;
	vm1 =	vgt.s32 v11, $0x0  }
0x32: {  	[tilespmem:$0x80] =	vst v1;
	v1 =	vnsel vm1, $0x0, v11;
	vm1 =	vgt.s32 v10, $0x0  }
0x33: {  	vm2 =	vgt.s32 v2, $0xFFFFFFFF;
	[tilespmem:$0x90] =	vst v1;
	v1 =	vnsel vm1, $0x0, v10;
	vm1 =	vgt.s32 v9, $0x0  }
0x34: {  	v3 =	vnsel vm1, $0x0, v9;
	[tilespmem:$0xA0] =	vst v1;
	vm1 =	vmand vm2, vm0  }
0x35: {  	[tilespmem:$0xB0] =	vst v3;
	v1 =	vnsel vm1, $0x0, v2  }
0x36: {  	s24 =	simm.s32 $0xD0;
	[tilespmem:$0xC0] =	vst v1  }
0x37: {  	[tilespmem:s24], [sflag:$0x1] =	stream.linear.gather [hbm4b:s23+s1], $0x800, $0x38;
	[tilespmem:$0x6970] =	vst v63  }
0x38: {  	s24 =	simm.s32 $0x8D0  }
0x39: {  	[tilespmem:s24], [sflag:$0x1] =	stream.linear.gather [hbm4b:s7+s1], $0x800, $0x38;
	[tilespmem:$0x6970] =	vst v63  }
0x3a: {  	_ = 	snop  }
0x3b: {  	[tilespmem:s25], [sflag:$0x1] =	stream.linear.gather [hbm4b:s8+s1], $0x800, $0x38;
	[tilespmem:$0x6970] =	vst v63  }
0x3c: {  	_ = 	snop  }
0x3d: {  	[tilespmem:s26], [sflag:$0x1] =	stream.linear.gather [hbm4b:s9+s1], $0x800, $0x38;
	[tilespmem:$0x6970] =	vst v63  }
0x3e: {  	_ = 	snop  }
0x3f: {  	[tilespmem:s28], [sflag:$0x1] =	stream.linear.gather [hbm4b:s10+s1], $0x800, $0x38;
	[tilespmem:$0x6970] =	vst v63  }
0x40: {  	_ = 	snop  }
0x41: {  	[tilespmem:s29], [sflag:$0x1] =	stream.linear.gather [hbm4b:s11+s1], $0x800, $0x38;
	[tilespmem:$0x6970] =	vst v63  }
0x42: {  	_ = 	snop  }
0x43: {  	[tilespmem:s30], [sflag:$0x1] =	stream.linear.gather [hbm4b:s12+s1], $0x800, $0x38;
	[tilespmem:$0x6970] =	vst v63  }
0x44: {  	_ = 	snop  }
0x45: {  	[tilespmem:s31], [sflag:$0x1] =	stream.linear.gather [hbm4b:s13+s1], $0x800, $0x38;
	[tilespmem:$0x6970] =	vst v63  }
0x46: {  	_ = 	snop  }
0x47: {  	[tilespmem:s0], [sflag:$0x1] =	stream.linear.gather [hbm4b:s14+s1], $0x800, $0x38;
	[tilespmem:$0x6970] =	vst v63  }
0x48: {  	_ = 	snop  }
0x49: {  	[tilespmem:s3], [sflag:$0x1] =	stream.linear.gather [hbm4b:s15+s1], $0x800, $0x38;
	[tilespmem:$0x6970] =	vst v63  }
0x4a: {  	_ = 	snop  }
0x4b: {  	[tilespmem:s21], [sflag:$0x1] =	stream.linear.gather [hbm4b:s16+s1], $0x800, $0x38;
	[tilespmem:$0x6970] =	vst v63  }
0x4c: {  	_ = 	snop  }
0x4d: {  	[tilespmem:s2], [sflag:$0x1] =	stream.linear.gather [hbm4b:s17+s1], $0x800, $0x38;
	[tilespmem:$0x6970] =	vst v63  }
0x4e: {  	_ = 	snop  }
0x4f: {  	[tilespmem:s19], [sflag:$0x1] =	stream.linear.gather [hbm4b:s18+s1], $0x800, $0x38;
	[tilespmem:$0x6970] =	vst v63  }
0x50: {  	_ =	swait.ge [sflag:s20], $0x800  }
0x51: {  	[sflag:s20] =	ssyncset.done $0x0  }
0x52: {  	[sflag:s20] =	ssyncadd.s32 $0xFFFFF800  }
0x53: {  	_ =	swait.ge [sflag:s20], $0x800  }
0x54: {  	[sflag:s20] =	ssyncset.done $0x0  }
0x55: {  	[sflag:s20] =	ssyncadd.s32 $0xFFFFF800  }
0x56: {  	_ =	swait.ge [sflag:s20], $0x800  }
0x57: {  	[sflag:s20] =	ssyncset.done $0x0  }
0x58: {  	[sflag:s20] =	ssyncadd.s32 $0xFFFFF800  }
0x59: {  	_ =	swait.ge [sflag:s20], $0x800  }
0x5a: {  	[sflag:s20] =	ssyncset.done $0x0  }
0x5b: {  	[sflag:s20] =	ssyncadd.s32 $0xFFFFF800  }
0x5c: {  	_ =	swait.ge [sflag:s20], $0x800  }
0x5d: {  	[sflag:s20] =	ssyncset.done $0x0  }
0x5e: {  	[sflag:s20] =	ssyncadd.s32 $0xFFFFF800  }
0x5f: {  	_ =	swait.ge [sflag:s20], $0x800  }
0x60: {  	[sflag:s20] =	ssyncset.done $0x0  }
0x61: {  	[sflag:s20] =	ssyncadd.s32 $0xFFFFF800  }
0x62: {  	_ =	swait.ge [sflag:s20], $0x800  }
0x63: {  	[sflag:s20] =	ssyncset.done $0x0  }
0x64: {  	[sflag:s20] =	ssyncadd.s32 $0xFFFFF800  }
0x65: {  	_ =	swait.ge [sflag:s20], $0x800  }
0x66: {  	[sflag:s20] =	ssyncset.done $0x0  }
0x67: {  	[sflag:s20] =	ssyncadd.s32 $0xFFFFF800  }
0x68: {  	_ =	swait.ge [sflag:s20], $0x800  }
0x69: {  	[sflag:s20] =	ssyncset.done $0x0  }
0x6a: {  	[sflag:s20] =	ssyncadd.s32 $0xFFFFF800  }
0x6b: {  	_ =	swait.ge [sflag:s20], $0x800  }
0x6c: {  	[sflag:s20] =	ssyncset.done $0x0  }
0x6d: {  	[sflag:s20] =	ssyncadd.s32 $0xFFFFF800  }
0x6e: {  	_ =	swait.ge [sflag:s20], $0x800  }
0x6f: {  	[sflag:s20] =	ssyncset.done $0x0  }
0x70: {  	[sflag:s20] =	ssyncadd.s32 $0xFFFFF800  }
0x71: {  	_ =	swait.ge [sflag:s20], $0x800  }
0x72: {  	[sflag:s20] =	ssyncset.done $0x0  }
0x73: {  	[sflag:s20] =	ssyncadd.s32 $0xFFFFF800  }
0x74: {  	_ =	swait.ge [sflag:s20], $0x800  }
0x75: {  	[sflag:s20] =	ssyncset.done $0x0  }
0x76: {  	s24 =	simm.s32 $0x0;
	[sflag:s20] =	ssyncadd.s32 $0xFFFFF800  }
0x77: {  	v1 =	vld [tilespmem:s24+$0x140]  }
0x78: {  	v2 =	vld [tilespmem:s24+$0xD0]  }
0x79: {  	v3 =	vld [tilespmem:s24+$0xE0]  }
0x7a: {  	v26 =	vld [tilespmem:s24+$0xF0]  }
0x7b: {  	v29 =	vld [tilespmem:s24+$0x100]  }
0x7c: {  	v24 =	vimm.f32 $0.0e+00;
	v25 =	vimm.f32 $0.0e+00;
	v27 =	vld [tilespmem:s24+$0x110]  }
0x7d: {  	v31 =	vimm.f32 $0.0e+00;
	v33 =	vimm.f32 $0.0e+00;
	v40 =	vld [tilespmem:s24+$0x120];
	v22 =	vadd.f32 v1, v24  }
0x7e: {  	v28 =	vimm.f32 $0.0e+00;
	s6 =	simm.s32 $0x400;
	s1 =	simm.s32 $0x80;
	v41 =	vld [tilespmem:s24+$0x130];
	v21 =	vadd.f32 v2, v24;
	v23 =	vadd.f32 v3, v24  }
.LBB2_3:
0x7f: {  	p0 =	sne.s32 s6, $0x19E00;
	v1 =	vld [tilespmem:s1+$0x140];
	v24 =	vadd.f32 v26, v24  }
0x80: {  	v2 =	vld [tilespmem:s1+$0xD0];
	v25 =	vadd.f32 v29, v25  }
0x81: {  	v3 =	vld [tilespmem:s1+$0xE0];
	v31 =	vadd.f32 v27, v31  }
.Ltmp0:
0x82: {  	v26 =	vld [tilespmem:s1+$0xF0];
	v33 =	vadd.f32 v40, v33;
	(pc) =	sbr.rel @p0 .LBB2_3-.Ltmp0, $4  }
0x83: {  	v29 =	vld [tilespmem:s1+$0x100];
	v28 =	vadd.f32 v41, v28  }
0x84: {  	v27 =	vld [tilespmem:s1+$0x110];
	v22 =	vadd.f32 v1, v22  }
0x85: {  	v21 =	vadd.f32 v2, v21;
	v40 =	vld [tilespmem:s1+$0x120]  }
0x86: {  	v23 =	vadd.f32 v3, v23;
	v41 =	vld [tilespmem:s1+$0x130];
	s1 =	sshra.s32 s6, $0x2;
	s6 =	sadd.s32 $0x200, s6  }
0x87: {  	v51 =	vld [tilespmem:s1+$0x140]  }
0x88: {  	v46 =	vld [tilespmem:s1+$0xD0]  }
0x89: {  	v47 =	vld [tilespmem:s1+$0xE0]  }
0x8a: {  	v48 =	vld [tilespmem:s1+$0xF0]  }
0x8b: {  	v50 =	vld [tilespmem:s1+$0x100]  }
0x8c: {  	v44 =	vld [tilespmem:s1+$0x110]  }
0x8d: {  	v45 =	vld [tilespmem:s1+$0x120]  }
0x8e: {  	v43 =	vld [tilespmem:s1+$0x130]  }
0x8f: {  	v8 =	vld [tilespmem:$0x68D0]  }
0x90: {  	v7 =	vld [tilespmem:$0x68E0]  }
0x91: {  	v6 =	vld [tilespmem:$0x68F0]  }
0x92: {  	v5 =	vld [tilespmem:$0x6900]  }
0x93: {  	v4 =	vld [tilespmem:$0x6910]  }
0x94: {  	v2 =	vld [tilespmem:$0x6920];
	s24 =	rddreg [dreg:$0x5]  }
0x95: {  	v3 =	vld [tilespmem:$0x6930];
	s1 =	simm.s32 $0x0;
	s5 =	sadd.s32 s24, s5  }
0x96: {  	v1 =	vld [tilespmem:$0x6940];
	[tilespmem:s1], [sflag:$0x2] =	stream.linear.gather [hbm4b:s5+s1], $0xC8, $0x38  }
0x97: {  	_ =	swait.ge [sflag:s22], $0xC8  }
0x98: {  	[sflag:s22] =	ssyncset.done $0x0  }
0x99: {  	[sflag:s22] =	ssyncadd.s32 $0xFFFFFF38  }
0x9a: {  	v53 =	vld [tilespmem:$0x0]  }
0x9b: {  	v52 =	vld [tilespmem:$0x10]  }
0x9c: {  	v49 =	vld [tilespmem:$0x20]  }
0x9d: {  	v42 =	vld [tilespmem:$0x30]  }
0x9e: {  	v39 =	vld [tilespmem:$0x40]  }
0x9f: {  	v38 =	vld [tilespmem:$0x50]  }
0xa0: {  	v37 =	vld [tilespmem:$0x60];
	vm2 =	vgt.s32 v53, $0x0  }
0xa1: {  	v35 =	vld [tilespmem:$0x70];
	v30 =	vnsel vm2, $0x0, v53;
	vm2 =	vgt.s32 v52, $0x0  }
0xa2: {  	v36 =	vld [tilespmem:$0x80];
	[tilespmem:$0x0] =	vst v30;
	v30 =	vnsel vm2, $0x0, v52;
	vm2 =	vgt.s32 v49, $0x0  }
0xa3: {  	v34 =	vld [tilespmem:$0x90];
	[tilespmem:$0x10] =	vst v30;
	v30 =	vnsel vm2, $0x0, v49;
	vm2 =	vgt.s32 v42, $0x0  }
0xa4: {  	v32 =	vld [tilespmem:$0xA0];
	[tilespmem:$0x20] =	vst v30;
	v30 =	vnsel vm2, $0x0, v42;
	vm2 =	vgt.s32 v39, $0x0  }
0xa5: {  	v55 =	vld [tilespmem:$0xC0];
	[tilespmem:$0x30] =	vst v30;
	v54 =	vnsel vm2, $0x0, v39;
	vm2 =	vgt.s32 v38, $0x0  }
0xa6: {  	v30 =	vld [tilespmem:$0xB0];
	[tilespmem:$0x40] =	vst v54;
	v58 =	vnsel vm2, $0x0, v38;
	vm2 =	vgt.s32 v37, $0x0  }
0xa7: {  	[tilespmem:$0x50] =	vst v58;
	v59 =	vnsel vm2, $0x0, v37;
	vm2 =	vgt.s32 v35, $0x0  }
0xa8: {  	[tilespmem:$0x60] =	vst v59;
	v60 =	vnsel vm2, $0x0, v35;
	vm2 =	vgt.s32 v36, $0x0  }
0xa9: {  	[tilespmem:$0x70] =	vst v60;
	v61 =	vnsel vm2, $0x0, v36;
	vm2 =	vgt.s32 v34, $0x0  }
0xaa: {  	[tilespmem:$0x80] =	vst v61;
	v62 =	vnsel vm2, $0x0, v34;
	vm2 =	vgt.s32 v32, $0x0  }
0xab: {  	vm3 =	vgt.s32 v55, $0xFFFFFFFF;
	[tilespmem:$0x90] =	vst v62;
	v63 =	vnsel vm2, $0x0, v32;
	vm2 =	vgt.s32 v30, $0x0  }
0xac: {  	v56 =	vnsel vm2, $0x0, v30;
	[tilespmem:$0xA0] =	vst v63;
	vm2 =	vmand vm3, vm0  }
0xad: {  	[tilespmem:$0xB0] =	vst v56;
	v59 =	vnsel vm2, $0x0, v55  }
0xae: {  	s6 =	simm.s32 $0xD0;
	[tilespmem:$0xC0] =	vst v59  }
0xaf: {  	[tilespmem:s6], [sflag:$0x1] =	stream.linear.gather [hbm4b:s23+s1], $0x800, $0x38;
	[tilespmem:$0x6970] =	vst v63  }
0xb0: {  	s6 =	simm.s32 $0x8D0  }
0xb1: {  	[tilespmem:s6], [sflag:$0x1] =	stream.linear.gather [hbm4b:s7+s1], $0x800, $0x38;
	[tilespmem:$0x6970] =	vst v63  }
0xb2: {  	_ = 	snop  }
0xb3: {  	[tilespmem:s25], [sflag:$0x1] =	stream.linear.gather [hbm4b:s8+s1], $0x800, $0x38;
	[tilespmem:$0x6970] =	vst v63  }
0xb4: {  	_ = 	snop  }
0xb5: {  	[tilespmem:s26], [sflag:$0x1] =	stream.linear.gather [hbm4b:s9+s1], $0x800, $0x38;
	[tilespmem:$0x6970] =	vst v63  }
0xb6: {  	_ = 	snop  }
0xb7: {  	[tilespmem:s28], [sflag:$0x1] =	stream.linear.gather [hbm4b:s10+s1], $0x800, $0x38;
	[tilespmem:$0x6970] =	vst v63  }
0xb8: {  	_ = 	snop  }
0xb9: {  	[tilespmem:s29], [sflag:$0x1] =	stream.linear.gather [hbm4b:s11+s1], $0x800, $0x38;
	[tilespmem:$0x6970] =	vst v63  }
0xba: {  	_ = 	snop  }
0xbb: {  	[tilespmem:s30], [sflag:$0x1] =	stream.linear.gather [hbm4b:s12+s1], $0x800, $0x38;
	[tilespmem:$0x6970] =	vst v63  }
0xbc: {  	_ = 	snop  }
0xbd: {  	[tilespmem:s31], [sflag:$0x1] =	stream.linear.gather [hbm4b:s13+s1], $0x800, $0x38;
	[tilespmem:$0x6970] =	vst v63  }
0xbe: {  	_ = 	snop  }
0xbf: {  	[tilespmem:s0], [sflag:$0x1] =	stream.linear.gather [hbm4b:s14+s1], $0x800, $0x38;
	[tilespmem:$0x6970] =	vst v63  }
0xc0: {  	_ = 	snop  }
0xc1: {  	[tilespmem:s3], [sflag:$0x1] =	stream.linear.gather [hbm4b:s15+s1], $0x800, $0x38;
	[tilespmem:$0x6970] =	vst v63  }
0xc2: {  	_ = 	snop  }
0xc3: {  	[tilespmem:s21], [sflag:$0x1] =	stream.linear.gather [hbm4b:s16+s1], $0x800, $0x38;
	[tilespmem:$0x6970] =	vst v63  }
0xc4: {  	_ = 	snop  }
0xc5: {  	[tilespmem:s2], [sflag:$0x1] =	stream.linear.gather [hbm4b:s17+s1], $0x800, $0x38;
	[tilespmem:$0x6970] =	vst v63  }
0xc6: {  	_ = 	snop  }
0xc7: {  	[tilespmem:s19], [sflag:$0x1] =	stream.linear.gather [hbm4b:s18+s1], $0x800, $0x38;
	[tilespmem:$0x6970] =	vst v63  }
0xc8: {  	_ =	swait.ge [sflag:s20], $0x800  }
0xc9: {  	[sflag:s20] =	ssyncset.done $0x0  }
0xca: {  	[sflag:s20] =	ssyncadd.s32 $0xFFFFF800  }
0xcb: {  	_ =	swait.ge [sflag:s20], $0x800  }
0xcc: {  	[sflag:s20] =	ssyncset.done $0x0  }
0xcd: {  	[sflag:s20] =	ssyncadd.s32 $0xFFFFF800  }
0xce: {  	_ =	swait.ge [sflag:s20], $0x800  }
0xcf: {  	[sflag:s20] =	ssyncset.done $0x0  }
0xd0: {  	[sflag:s20] =	ssyncadd.s32 $0xFFFFF800  }
0xd1: {  	_ =	swait.ge [sflag:s20], $0x800  }
0xd2: {  	[sflag:s20] =	ssyncset.done $0x0  }
0xd3: {  	[sflag:s20] =	ssyncadd.s32 $0xFFFFF800  }
0xd4: {  	_ =	swait.ge [sflag:s20], $0x800  }
0xd5: {  	[sflag:s20] =	ssyncset.done $0x0  }
0xd6: {  	[sflag:s20] =	ssyncadd.s32 $0xFFFFF800  }
0xd7: {  	_ =	swait.ge [sflag:s20], $0x800  }
0xd8: {  	[sflag:s20] =	ssyncset.done $0x0  }
0xd9: {  	[sflag:s20] =	ssyncadd.s32 $0xFFFFF800  }
0xda: {  	_ =	swait.ge [sflag:s20], $0x800  }
0xdb: {  	[sflag:s20] =	ssyncset.done $0x0  }
0xdc: {  	[sflag:s20] =	ssyncadd.s32 $0xFFFFF800  }
0xdd: {  	_ =	swait.ge [sflag:s20], $0x800  }
0xde: {  	[sflag:s20] =	ssyncset.done $0x0  }
0xdf: {  	[sflag:s20] =	ssyncadd.s32 $0xFFFFF800  }
0xe0: {  	_ =	swait.ge [sflag:s20], $0x800  }
0xe1: {  	[sflag:s20] =	ssyncset.done $0x0  }
0xe2: {  	[sflag:s20] =	ssyncadd.s32 $0xFFFFF800  }
0xe3: {  	_ =	swait.ge [sflag:s20], $0x800  }
0xe4: {  	[sflag:s20] =	ssyncset.done $0x0  }
0xe5: {  	[sflag:s20] =	ssyncadd.s32 $0xFFFFF800  }
0xe6: {  	_ =	swait.ge [sflag:s20], $0x800  }
0xe7: {  	[sflag:s20] =	ssyncset.done $0x0  }
0xe8: {  	[sflag:s20] =	ssyncadd.s32 $0xFFFFF800  }
0xe9: {  	_ =	swait.ge [sflag:s20], $0x800  }
0xea: {  	[sflag:s20] =	ssyncset.done $0x0  }
0xeb: {  	[sflag:s20] =	ssyncadd.s32 $0xFFFFF800  }
0xec: {  	_ =	swait.ge [sflag:s20], $0x800  }
0xed: {  	[sflag:s20] =	ssyncset.done $0x0  }
0xee: {  	s24 =	smov.u32 s23;
	s23 =	simm.s32 $0x0;
	[sflag:s20] =	ssyncadd.s32 $0xFFFFF800  }
0xef: {  	v24 =	vadd.f32 v26, v24;
	v25 =	vadd.f32 v29, v25;
	v29 =	vld [tilespmem:s23+$0x140]  }
0xf0: {  	v33 =	vadd.f32 v40, v33;
	v22 =	vadd.f32 v51, v22;
	v61 =	vld [tilespmem:s23+$0xD0]  }
0xf1: {  	v26 =	vadd.f32 v50, v25;
	v60 =	vadd.f32 v27, v31;
	v63 =	vld [tilespmem:s23+$0xE0]  }
0xf2: {  	v40 =	vimm.f32 $0.0e+00;
	v31 =	vadd.f32 v46, v21;
	v27 =	vadd.f32 v48, v24;
	v50 =	vld [tilespmem:s23+$0xF0]  }
0xf3: {  	v51 =	vimm.f32 $0.0e+00;
	v62 =	vadd.f32 v41, v28;
	v28 =	vadd.f32 v47, v23;
	v47 =	vld [tilespmem:s23+$0x100]  }
0xf4: {  	v25 =	vadd.f32 v44, v60;
	v23 =	vadd.f32 v45, v33;
	v41 =	vimm.f32 $0.0e+00;
	v48 =	vld [tilespmem:s23+$0x110]  }
0xf5: {  	v45 =	vimm.f32 $0.0e+00;
	v24 =	vadd.f32 v43, v62;
	v46 =	vld [tilespmem:s23+$0x120];
	v21 =	vadd.f32 v29, v41  }
0xf6: {  	s5 =	simm.s32 $0x80;
	v43 =	vimm.f32 $0.0e+00;
	s1 =	simm.s32 $0x400;
	v44 =	vld [tilespmem:s23+$0x130];
	v33 =	vadd.f32 v61, v41;
	v29 =	vadd.f32 v63, v41  }
.LBB2_5:
0xf7: {  	p0 =	sne.s32 s1, $0x19E00;
	v54 =	vld [tilespmem:s5+$0x140];
	v41 =	vadd.f32 v50, v41  }
0xf8: {  	v55 =	vld [tilespmem:s5+$0xD0];
	v45 =	vadd.f32 v47, v45  }
0xf9: {  	v56 =	vld [tilespmem:s5+$0xE0];
	v51 =	vadd.f32 v48, v51  }
.Ltmp1:
0xfa: {  	v50 =	vld [tilespmem:s5+$0xF0];
	v43 =	vadd.f32 v46, v43;
	(pc) =	sbr.rel @p0 .LBB2_5-.Ltmp1, $4  }
0xfb: {  	v47 =	vld [tilespmem:s5+$0x100];
	v40 =	vadd.f32 v44, v40  }
0xfc: {  	v48 =	vld [tilespmem:s5+$0x110];
	v21 =	vadd.f32 v54, v21  }
0xfd: {  	v33 =	vadd.f32 v55, v33;
	v46 =	vld [tilespmem:s5+$0x120]  }
0xfe: {  	v29 =	vadd.f32 v56, v29;
	v44 =	vld [tilespmem:s5+$0x130];
	s5 =	sshra.s32 s1, $0x2;
	s1 =	sadd.s32 $0x200, s1  }
0xff: {  	vm3 =	vgt.s32 v20, $0xFFFFFFFF  }
0x100: {  	v20 =	vsel vm3, $0x1, v0;
	vm3 =	vgt.s32 v19, $0xFFFFFFFF  }
0x101: {  	(xrf0) =	vadd.scan.msk.s32 $0xffff, v20;
	v19 =	vsel vm3, $0x1, v0;
	vm3 =	vgt.s32 v18, $0xFFFFFFFF  }
0x102: {  	(xrf0) =	vadd.scan.msk.s32 $0xffff, v19;
	v18 =	vsel vm3, $0x1, v0;
	vm3 =	vgt.s32 v17, $0xFFFFFFFF  }
0x103: {  	(xrf0) =	vadd.scan.msk.s32 $0xffff, v18;
	v17 =	vsel vm3, $0x1, v0;
	vm3 =	vgt.s32 v16, $0xFFFFFFFF  }
0x104: {  	(xrf0) =	vadd.scan.msk.s32 $0xffff, v17;
	v16 =	vsel vm3, $0x1, v0;
	vm3 =	vgt.s32 v15, $0xFFFFFFFF  }
0x105: {  	(xrf0) =	vadd.scan.msk.s32 $0xffff, v16;
	v15 =	vsel vm3, $0x1, v0;
	vm3 =	vgt.s32 v12, $0xFFFFFFFF  }
0x106: {  	(xrf0) =	vadd.scan.msk.s32 $0xffff, v15;
	v12 =	vsel vm3, $0x1, v0;
	vm3 =	vgt.s32 v13, $0xFFFFFFFF  }
0x107: {  	v55, _, _ =	vpop (xrf0);
	(xrf0) =	vadd.scan.msk.s32 $0xffff, v12;
	v56 =	vsel vm3, $0x1, v0;
	vm3 =	vgt.s32 v14, $0xFFFFFFFF  }
0x108: {  	(v2sf) =	vpush v55, $0xF;
	v57, _, _ =	vpop (xrf0);
	(xrf0) =	vadd.scan.msk.s32 $0xffff, v56;
	v58 =	vsel vm3, $0x1, v0;
	vm3 =	vgt.s32 v11, $0xFFFFFFFF  }
0x109: {  	(v2sf) =	vpush v57, $0xF;
	v59, _, _ =	vpop (xrf0);
	(xrf0) =	vadd.scan.msk.s32 $0xffff, v58;
	v60 =	vsel vm3, $0x1, v0;
	vm3 =	vgt.s32 v10, $0xFFFFFFFF  }
0x10a: {  	(v2sf) =	vpush v59, $0xF;
	v61, _, _ =	vpop (xrf0);
	(xrf0) =	vadd.scan.msk.s32 $0xffff, v60;
	v62 =	vsel vm3, $0x1, v0;
	vm3 =	vgt.s32 v9, $0xFFFFFFFF  }
0x10b: {  	(v2sf) =	vpush v61, $0xF;
	v63, _, _ =	vpop (xrf0);
	(xrf0) =	vadd.scan.msk.s32 $0xffff, v62;
	v12 =	vsel vm3, $0x1, v0  }
0x10c: {  	(v2sf) =	vpush v63, $0xF;
	v13, _, _ =	vpop (xrf0);
	(xrf0) =	vadd.scan.msk.s32 $0xffff, v12  }
0x10d: {  	v14 =	vsel vm1, $0x1, v0;
	vm1 =	vgt.s32 v53, $0xFFFFFFFF;
	(v2sf) =	vpush v13, $0xF;
	v15, _, _ =	vpop (xrf0)  }
0x10e: {  	v17 =	vsel vm1, $0x1, v0;
	vm1 =	vgt.s32 v52, $0xFFFFFFFF;
	(xrf0) =	vadd.scan.msk.s32 $0xffff, v14;
	(v2sf) =	vpush v15, $0xF;
	v16, _, _ =	vpop (xrf0)  }
0x10f: {  	v19 =	vsel vm1, $0x1, v0;
	vm1 =	vgt.s32 v49, $0xFFFFFFFF;
	(xrf0) =	vadd.scan.msk.s32 $0xffff, v17;
	(v2sf) =	vpush v16, $0xF;
	v18, _, _ =	vpop (xrf0)  }
0x110: {  	v49 =	vsel vm1, $0x1, v0;
	vm1 =	vgt.s32 v42, $0xFFFFFFFF;
	(xrf0) =	vadd.scan.msk.s32 $0xffff, v19;
	(v2sf) =	vpush v18, $0xF;
	v20, _, _ =	vpop (xrf0)  }
0x111: {  	v53 =	vsel vm1, $0x1, v0;
	vm1 =	vgt.s32 v39, $0xFFFFFFFF;
	(xrf0) =	vadd.scan.msk.s32 $0xffff, v49;
	(v2sf) =	vpush v20, $0xF;
	v52, _, _ =	vpop (xrf0)  }
0x112: {  	v55 =	vsel vm1, $0x1, v0;
	vm1 =	vgt.s32 v38, $0xFFFFFFFF;
	(xrf0) =	vadd.scan.msk.s32 $0xffff, v53;
	(v2sf) =	vpush v52, $0xF;
	v54, _, _ =	vpop (xrf0)  }
0x113: {  	v57 =	vsel vm1, $0x1, v0;
	vm1 =	vgt.s32 v37, $0xFFFFFFFF;
	(xrf0) =	vadd.scan.msk.s32 $0xffff, v55;
	(v2sf) =	vpush v54, $0xF  }
0x114: {  	v58 =	vsel vm1, $0x1, v0;
	vm1 =	vgt.s32 v35, $0xFFFFFFFF;
	v56, _, _ =	vpop (xrf0);
	(xrf0) =	vadd.scan.msk.s32 $0xffff, v57  }
0x115: {  	v60 =	vsel vm1, $0x1, v0;
	vm1 =	vgt.s32 v36, $0xFFFFFFFF;
	(v2sf) =	vpush v56, $0xF;
	v59, _, _ =	vpop (xrf0);
	(xrf0) =	vadd.scan.msk.s32 $0xffff, v58  }
0x116: {  	v62 =	vsel vm1, $0x1, v0;
	vm1 =	vgt.s32 v34, $0xFFFFFFFF;
	(v2sf) =	vpush v59, $0xF;
	v61, _, _ =	vpop (xrf0);
	(xrf0) =	vadd.scan.msk.s32 $0xffff, v60  }
0x117: {  	v12 =	vsel vm1, $0x1, v0;
	vm1 =	vgt.s32 v32, $0xFFFFFFFF;
	v63, _, _ =	vpop (xrf0);
	(xrf0) =	vadd.scan.msk.s32 $0xffff, v62;
	s1 =	spop (v2sf);
	(v2sf) =	vpush v61, $0xF  }
0x118: {  	v14 =	vsel vm1, $0x1, v0;
	vm1 =	vgt.s32 v30, $0xFFFFFFFF;
	v13, _, _ =	vpop (xrf0);
	(xrf0) =	vadd.scan.msk.s32 $0xffff, v12;
	s6 =	spop (v2sf);
	(v2sf) =	vpush v63, $0xF  }
0x119: {  	v16 =	vsel vm1, $0x1, v0;
	v15, _, _ =	vpop (xrf0);
	(xrf0) =	vadd.scan.msk.s32 $0xffff, v14;
	s1 =	sadd.s32 s1, s6;
	s23 =	spop (v2sf);
	(v2sf) =	vpush v13, $0xF  }
0x11a: {  	v18 =	vsel vm2, $0x1, v0;
	v17, _, _ =	vpop (xrf0);
	(xrf0) =	vadd.scan.msk.s32 $0xffff, v16;
	s1 =	sadd.s32 s23, s1;
	s23 =	spop (v2sf);
	(v2sf) =	vpush v15, $0xF  }
0x11b: {  	v19, _, _ =	vpop (xrf0);
	(xrf0) =	vadd.scan.msk.s32 $0xffff, v18;
	s1 =	sadd.s32 s23, s1;
	s23 =	spop (v2sf);
	(v2sf) =	vpush v17, $0xF  }
0x11c: {  	v20, _, _ =	vpop (xrf0);
	s1 =	sadd.s32 s23, s1;
	s23 =	spop (v2sf);
	(v2sf) =	vpush v19, $0xF  }
0x11d: {  	v30, _, _ =	vpop (xrf0);
	s1 =	sadd.s32 s23, s1;
	s23 =	spop (v2sf);
	(v2sf) =	vpush v20, $0xF  }
0x11e: {  	v32, _, _ =	vpop (xrf0);
	s1 =	sadd.s32 s23, s1;
	s23 =	spop (v2sf);
	(v2sf) =	vpush v30, $0xF  }
0x11f: {  	v34, _, _ =	vpop (xrf0);
	s1 =	sadd.s32 s23, s1;
	s23 =	spop (v2sf);
	(v2sf) =	vpush v32, $0xF  }
0x120: {  	v35, _, _ =	vpop (xrf0);
	s1 =	sadd.s32 s23, s1;
	s23 =	spop (v2sf);
	(v2sf) =	vpush v34, $0xF  }
0x121: {  	v36, _, _ =	vpop (xrf0);
	s1 =	sadd.s32 s23, s1;
	s23 =	spop (v2sf);
	(v2sf) =	vpush v35, $0xF  }
0x122: {  	s6 =	spop (v2sf);
	(v2sf) =	vpush v36, $0xF;
	_ =	sdelay $0x1  }
0x123: {  	s1 =	sadd.s32 s23, s1;
	s23 =	spop (v2sf)  }
0x124: {  	s1 =	sadd.s32 s6, s1;
	s6 =	spop (v2sf)  }
0x125: {  	s1 =	sadd.s32 s23, s1;
	s23 =	spop (v2sf)  }
0x126: {  	v37 =	vmov s1;
	s6 =	sadd.s32 s6, s23;
	s23 =	spop (v2sf)  }
0x127: {  	v9 =	vcvt.s32.f32 v37;
	s6 =	sadd.s32 s23, s6;
	s23 =	spop (v2sf)  }
0x128: {  	s6 =	sadd.s32 s23, s6;
	s23 =	spop (v2sf)  }
0x129: {  	v9 =	vmax.f32 v9, $9.999999970e-07;
	s6 =	sadd.s32 s23, s6;
	s23 =	spop (v2sf)  }
0x12a: {  	s1 =	ssub.s32 $0xD0, s1;
	v9 =	vbroadcast v9, $0x0;
	s6 =	sadd.s32 s23, s6;
	s23 =	spop (v2sf)  }
0x12b: {  	v39 =	vld [tilespmem:s5+$0xD0];
	v38 =	vmov s1;
	s6 =	sadd.s32 s23, s6;
	s23 =	spop (v2sf)  }
0x12c: {  	(erf) = vrcp.f32 v9;
	v9 =	vcvt.s32.f32 v38;
	s1 =	sadd.s32 s23, s6;
	s23 =	spop (v2sf)  }
0x12d: {  	s1 =	sadd.s32 s23, s1;
	s23 =	spop (v2sf)  }
0x12e: {  	v51 =	vadd.f32 v48, v51;
	v52 =	vld [tilespmem:s5+$0xF0];
	v9 =	vbroadcast v9, $0x0;
	s1 =	sadd.s32 s23, s1;
	s23 =	spop (v2sf)  }
0x12f: {  	v42 =	vadd.f32 v50, v41;
	v50 =	vld [tilespmem:s5+$0xE0];
	v49 =	vadd.f32 v47, v45;
	s1 =	sadd.s32 s23, s1;
	s23 =	spop (v2sf)  }
0x130: {  	v10 =	vadd.f32 v39, v33;
	v54 =	vadd.f32 v46, v43;
	v8 =	vmul.f32 v8, v9;
	s1 =	sadd.s32 s23, s1;
	s23 =	spop (v2sf)  }
0x131: {  	v33 =	vld [tilespmem:$0x6920];
	v57 =	vadd.f32 v44, v40;
	v7 =	vmul.f32 v7, v9;
	v6 =	vmul.f32 v6, v9;
	s1 =	sadd.s32 s23, s1  }
0x132: {  	v56 =	vld [tilespmem:s5+$0x100];
	v5 =	vmul.f32 v5, v9;
	v4 =	vmul.f32 v4, v9;
	v53 =	vmov s1  }
0x133: {  	v58 =	vld [tilespmem:s5+$0x110];
	v11 =	vadd.f32 v52, v42;
	v2 =	vmul.f32 v2, v9;
	v16 =	vcvt.s32.f32 v53  }
0x134: {  	v59 =	vld [tilespmem:s5+$0x120];
	v13 =	vadd.f32 v50, v29;
	v3 =	vmul.f32 v3, v9;
	v1 =	vmul.f32 v1, v9  }
0x135: {  	v60 =	vld [tilespmem:$0x68D0];
	v8 =	vsub.f32 v31, v8;
	v7 =	vsub.f32 v28, v7;
	v16 =	vmax.f32 v16, $9.999999970e-07  }
0x136: {  	v61 =	vld [tilespmem:$0x68E0];
	v6 =	vsub.f32 v27, v6;
	v5 =	vsub.f32 v26, v5;
	v55 =	vpop (erf);
	v16 =	vbroadcast v16, $0x0  }
0x137: {  	v63 =	vld [tilespmem:$0x68F0];
	v4 =	vsub.f32 v25, v4;
	v2 =	vsub.f32 v23, v2;
	s1 =	ssub.s32 $0xD0, s1;
	v8 =	vmul.f32 v8, v55  }
0x138: {  	v34 =	vld [tilespmem:s5+$0x130];
	v62 =	vmov s1;
	v7 =	vmul.f32 v7, v55;
	(erf) = vrcp.f32 v16  }
0x139: {  	v31 =	vld [tilespmem:$0x6900];
	v3 =	vsub.f32 v24, v3;
	v6 =	vmul.f32 v6, v55;
	v29 =	vcvt.s32.f32 v62  }
0x13a: {  	v32 =	vld [tilespmem:$0x6910];
	v1 =	vsub.f32 v22, v1;
	v5 =	vmul.f32 v5, v55;
	v4 =	vmul.f32 v4, v55  }
0x13b: {  	v12 =	vadd.f32 v56, v49;
	v37 =	vld [tilespmem:$0x6930];
	v2 =	vmul.f32 v2, v55;
	v9 =	vbroadcast v29, $0x0  }
0x13c: {  	v44 =	vld [tilespmem:$0x6940];
	v14 =	vadd.f32 v58, v51;
	v3 =	vmul.f32 v3, v55;
	v1 =	vmul.f32 v1, v55  }
0x13d: {  	v40 =	vld [tilespmem:s5+$0x140];
	v17 =	vadd.f32 v59, v54;
	v15 =	vmul.f32 v60, v9;
	v16 =	vmul.f32 v61, v9  }
0x13e: {  	v41 =	vadd.f32 v34, v57;
	v35 =	vmul.f32 v63, v9;
	v36 =	vmul.f32 v31, v9  }
0x13f: {  	v23 =	vmul.f32 v32, v9;
	v39 =	vmul.f32 v33, v9;
	v10 =	vsub.f32 v10, v15  }
0x140: {  	v42 =	vmul.f32 v37, v9;
	v13 =	vsub.f32 v13, v16;
	v11 =	vsub.f32 v11, v35  }
0x141: {  	v9 =	vmul.f32 v44, v9;
	v12 =	vsub.f32 v12, v36;
	v14 =	vsub.f32 v14, v23;
	v38 =	vpop (erf)  }
0x142: {  	v16 =	vsub.f32 v17, v39;
	v15 =	vadd.f32 v40, v21;
	v10 =	vmul.f32 v10, v38  }
0x143: {  	v17 =	vsub.f32 v41, v42;
	v13 =	vmul.f32 v13, v38;
	v11 =	vmul.f32 v11, v38  }
0x144: {  	v9 =	vsub.f32 v15, v9;
	v12 =	vmul.f32 v12, v38;
	v14 =	vmul.f32 v14, v38  }
0x145: {  	v16 =	vmul.f32 v16, v38;
	v17 =	vmul.f32 v17, v38  }
0x146: {  	v9 =	vmul.f32 v9, v38;
	v43 =	vmul.f32 v10, v8  }
0x147: {  	v8 =	vmul.f32 v8, v8;
	v45 =	vmul.f32 v13, v7  }
0x148: {  	v10 =	vmul.f32 v10, v10;
	v7 =	vmul.f32 v7, v7  }
0x149: {  	v13 =	vmul.f32 v13, v13;
	v46 =	vmul.f32 v11, v6;
	v19 =	vadd.f32 v45, v43  }
0x14a: {  	v6 =	vmul.f32 v6, v6;
	v11 =	vmul.f32 v11, v11;
	v7 =	vadd.f32 v7, v8  }
0x14b: {  	v49 =	vmul.f32 v12, v5;
	v47 =	vadd.f32 v13, v10;
	v48 =	vadd.f32 v46, v19  }
0x14c: {  	v5 =	vmul.f32 v5, v5;
	v52 =	vmul.f32 v12, v12;
	v6 =	vadd.f32 v6, v7  }
0x14d: {  	v53 =	vmul.f32 v14, v4;
	v50 =	vadd.f32 v11, v47;
	v51 =	vadd.f32 v49, v48  }
0x14e: {  	v4 =	vmul.f32 v4, v4;
	v54 =	vmul.f32 v14, v14;
	v5 =	vadd.f32 v5, v6  }
0x14f: {  	v55 =	vmul.f32 v16, v2;
	v7 =	vadd.f32 v52, v50;
	v6 =	vadd.f32 v53, v51  }
0x150: {  	v2 =	vmul.f32 v2, v2;
	v56 =	vmul.f32 v16, v16;
	v4 =	vadd.f32 v4, v5  }
0x151: {  	v57 =	vmul.f32 v17, v3;
	v7 =	vadd.f32 v54, v7;
	v5 =	vadd.f32 v55, v6  }
0x152: {  	v3 =	vmul.f32 v3, v3;
	v59 =	vmul.f32 v17, v17;
	v2 =	vadd.f32 v2, v4  }
0x153: {  	v60 =	vmul.f32 v9, v1;
	v58 =	vadd.f32 v56, v7;
	v5 =	vadd.f32 v57, v5  }
0x154: {  	v1 =	vmul.f32 v1, v1;
	v2 =	vadd.f32 v3, v2  }
0x155: {  	v62 =	vmul.f32 v9, v9;
	v3 =	vadd.f32 v59, v58;
	v61 =	vadd.f32 v60, v5  }
0x156: {  	v1 =	vadd.f32 v1, v2  }
0x157: {  	v2 =	vadd.f32 v62, v3;
	(xrf2) =	vadd.scan.msk.f32 $0xffff, v61  }
0x158: {  	(xrf2) =	vadd.scan.msk.f32 $0xffff, v1  }
0x159: {  	(xrf2) =	vadd.scan.msk.f32 $0xffff, v2;
	_ =	sdelay $0x7  }
0x15a: {  	v1, _, _ =	vpop (xrf2)  }
0x15b: {  	v2, _, _ =	vpop (xrf2)  }
0x15c: {  	v3, _, _ =	vpop (xrf2)  }
0x15d: {  	v2 =	vmul.f32 v3, v2;
	_ =	sdelay $0x1  }
0x15e: {  	v2 =	vmax.f32 v2, $1.000000020e-16  }
0x15f: {  	v2 =	vbroadcast v2, $0xF;
	_ =	sdelay $0x1  }
0x160: {  	v3 =	vshra.s32 v2, $0x1;
	v2 =	vmul.f32 $5.000000000e-01, v2  }
0x161: {  	v3 =	vsub.s32 $0x5F3759DF, v3  }
0x162: {  	v63 =	vmul.f32 v3, v2;
	_ =	sdelay $0x1  }
0x163: {  	v4 =	vmul.f32 v3, v63;
	_ =	sdelay $0x1  }
0x164: {  	v4 =	vsub.f32 $1.500000000e+00, v4;
	_ =	sdelay $0x1  }
0x165: {  	v3 =	vmul.f32 v3, v4;
	_ =	sdelay $0x1  }
0x166: {  	v4 =	vmul.f32 v3, v2;
	_ =	sdelay $0x1  }
0x167: {  	v4 =	vmul.f32 v4, v3;
	_ =	sdelay $0x1  }
0x168: {  	v4 =	vsub.f32 $1.500000000e+00, v4;
	_ =	sdelay $0x1  }
0x169: {  	v3 =	vmul.f32 v4, v3;
	_ =	sdelay $0x1  }
0x16a: {  	v2 =	vmul.f32 v3, v2;
	_ =	sdelay $0x1  }
0x16b: {  	v2 =	vmul.f32 v2, v3;
	_ =	sdelay $0x1  }
0x16c: {  	v2 =	vsub.f32 $1.500000000e+00, v2;
	_ =	sdelay $0x1  }
0x16d: {  	v1 =	vbroadcast v1, $0xF;
	v2 =	vmul.f32 v2, v3;
	v3 =	vmov s4;
	s4 =	sadd.s32 $0x1, s4  }
0x16e: {  	p0 =	sne.s32 s4, $0x20  }
.Ltmp2:
0x16f: {  	v1 =	vmul.f32 v2, v1;
	(pc) =	sbr.rel @p0 .LBB2_2-.Ltmp2, $4  }
0x170: {  	_ = 	snop  }
0x171: {  	v1 =	vmul.f32 $5.000000000e+00, v1  }
0x172: {  	s23 =	simm.s32 $0x6950  }
0x173: {  	[tilespmem:v3+s23+$0x0] =	vst.idx.msk $0x1, v1;
	s23 =	smov.u32 s24  }
0x174: {  	s6 =	simm.s32 $0x0;
	s1 =	rddreg [dreg:$0x7];
	s4 =	simm.s32 $0x6950  }
0x175: {  	[hbm4b:s1+s6] =	stream.linear.scatter [tilespmem:s4], [sflag:$0x2], $0x20, $0x38;
	[tilespmem:$0x6970] =	vst v63  }
0x176: {  	_ =	swait.ge [sflag:s22], $0x20  }
0x177: {  	s5 =	rddreg [dreg:$0x9]  }
0x178: {  	s24 =	rddreg [dreg:$0x8];
	s4 =	sadd.s32 $0x1, s5  }
0x179: {  	p0 =	sne.s32 s4, s24  }
.Ltmp3:
0x17a: {  	_ = 	snop;
	(pc) =	sbr.rel @p0 .LBB2_1-.Ltmp3, $3  }
0x17b: {  	_ =	sdelay $0x1  }
0x17c: {  	[sflag:s22] =	ssyncset.done $0x0  }
0x17d: {  	[sflag:s22] =	ssyncadd.s32 $0xFFFFFFE0  }
0x17e: {  	_ =	sfence.sel $0x180000  }
0x17f: {  	[bflag:$0x0] =	sbarrier.arrive $0xFFFF  }
0x180: {  	_ =	strace $0x90000047  }
0x181: {  	s0 =	stileid.u32;
	[bflag:$0x2] =	sbarrier.arrive $0xFFFF  }
0x182: {  	p0 =	sne.s32 s0, $0x0;
	s0 =	rddreg [dreg:$0x3]  }
0x183: {  	s0 =	sadd.s32 @!p0 $0x100000, s0  }
0x184: {  	[sflag:s0] =	ssyncadd.tile.s32 @!p0 $0x1;
	_ =	shalt  }
.Lfunc_end2:
_tile_overlayer_lowered:
.L_overlay_start_2:
0x185: {  	(tag) =	ssettag $0x2  }
0x186: {  	s0 =	rddreg [dreg:$0x0];
	s2 =	stileid.u32  }
0x187: {  	s1 =	rddreg [dreg:$0x1];
	p0 =	sne.s32 s2, $0x0  }
0x188: {  	s3 =	rddreg [dreg:$0x2];
	[bflag:$0x3] =	sbarrier.arrive $0xFFFF;
	s2 =	simm.s32 @!p0 $0x1C02  }
0x189: {  	[timem:s3], [sflag:s2] =	dma.local @!p0 [hbm:s0], s1  }
0x18a: {  	s0 =	simm.s32 @!p0 $0x2  }
0x18b: {  	_ =	swait.ge @!p0 [sflag:s0], s1  }
0x18c: {  	s1 =	ssub.s32 @!p0 $0x0, s1;
	[sflag:s0] =	ssyncset.done @!p0 $0x0  }
0x18d: {  	[sflag:s0] =	ssyncadd.s32 @!p0 s1  }
0x18e: {  	[bflag:$0x3] =	sbarrier.arrive $0xFFFF  }
0x18f: {  	_ =	shalt  }

</sc_bundles>
